<compile_context>
chip_gen: v7x
topology: tpu7x:2x2x1
jax: 0.10.2.dev20260603
libtpu: 0.0.44.dev20260713+nightly
codegen_flags: <defaults>
</compile_context>

<pallas_src>
import functools

import jax
import jax.numpy as jnp
from jax import lax
from jax.experimental import pallas as pl
from jax.experimental.pallas import tpu as pltpu
from jax.experimental.pallas import tpu_sc as plsc

D = 64
NC = 2
NS = 16
NW = NC * NS
CHUNK = 128


@functools.partial(jax.jit, static_argnums=(0,))
def _router_sc(B, first2d, token_emb, wb):
    bpw = B // NW
    nchunk = bpw // CHUNK
    ngroups = bpw // 16

    mesh = plsc.VectorSubcoreMesh(core_axis_name="c", subcore_axis_name="s")

    @functools.partial(
        pl.kernel,
        mesh=mesh,
        compiler_params=pltpu.CompilerParams(
            needs_layout_passes=False,
            use_tc_tiling_on_sc=False,
        ),
        out_type=jax.ShapeDtypeStruct((B * 2,), jnp.float32),
        scratch_types=[
            pltpu.VMEM((nchunk, CHUNK), jnp.int32),
            pltpu.VMEM((bpw, D), jnp.float32),
            pltpu.VMEM((bpw * 2,), jnp.float32),
            pltpu.VMEM((144,), jnp.float32),
            pltpu.SemaphoreType.DMA,
        ],
    )
    def k(first_hbm, table_hbm, wb_hbm, out_hbm, idx_v, rows_v, out_v, wb_v, sem):
        wid = lax.axis_index("s") * NC + lax.axis_index("c")
        base = wid * bpw

        pltpu.sync_copy(wb_hbm, wb_v)
        pltpu.sync_copy(first_hbm.at[pl.ds(wid * nchunk, nchunk)], idx_v)

        copies = []
        for j in range(nchunk):
            copies.append(
                pltpu.async_copy(
                    table_hbm.at[idx_v.at[j]],
                    rows_v.at[pl.ds(j * CHUNK, CHUNK)],
                    sem,
                )
            )
        for c in copies:
            c.wait()

        iota16 = lax.iota(jnp.int32, 16)

        w0 = [wb_v[pl.ds(16 * c, 16)] for c in range(D // 16)]
        w1 = [wb_v[pl.ds(D + 16 * c, 16)] for c in range(D // 16)]
        bias = wb_v[pl.ds(2 * D, 16)]

        def g_body(g, carry):
            row_idx = iota16 + g * 16
            a0 = jnp.zeros((16,), jnp.float32)
            a1 = jnp.zeros((16,), jnp.float32)
            for d in range(D):
                col_idx = jnp.full((16,), d, jnp.int32)
                col = plsc.load_gather(rows_v, [row_idx, col_idx])
                a0 = a0 + col * w0[d // 16][d % 16]
                a1 = a1 + col * w1[d // 16][d % 16]
            a0 = a0 + bias[0]
            a1 = a1 + bias[1]
            out_pos = row_idx * 2
            plsc.store_scatter(out_v, [out_pos], a0)
            plsc.store_scatter(out_v, [out_pos + 1], a1)
            return carry

        lax.fori_loop(0, ngroups, g_body, 0)

        pltpu.sync_copy(out_v, out_hbm.at[pl.ds(base * 2, bpw * 2)])

    return k(first2d, token_emb, wb)


def kernel(ids, token_emb, fc_w, fc_b):
    B = ids.shape[0]
    first2d = ids[:, 0].reshape(B // CHUNK, CHUNK).astype(jnp.int32)
    wb = jnp.zeros((144,), jnp.float32)
    wb = wb.at[: 2 * D].set(fc_w.reshape(-1))
    wb = wb.at[2 * D : 2 * D + 2].set(fc_b)
    out = _router_sc(B, first2d, token_emb, wb)
    return out.reshape(B, 2)

# --- scband reference (transcript-rebuilt; emitter-appended) ---
"""Pipeline reference for scband-router-25975962206967 (READ-ONLY COPY).

The authoritative reference and input builder live on the scoring server;
editing this copy changes nothing except your own understanding.
"""

import jax, jax.numpy as jnp
import numpy as np

VOCAB = 1000000
D = 64
BATCH = 16384
HIST = 20

def setup_inputs(seed: int = 0) -> dict:
    key = jax.random.key(seed)
    k_ids, k_emb, k_w, k_b = jax.random.split(key, 4)
    ids = jax.random.randint(k_ids, (BATCH, HIST), 0, VOCAB, dtype=jnp.int64) if jax.config.jax_enable_x64 else jax.random.randint(k_ids, (BATCH, HIST), 0, VOCAB, dtype=jnp.int32)
    token_emb = jax.random.normal(k_emb, (VOCAB, D), dtype=jnp.float32) * 0.02
    fc_w = jax.random.normal(k_w, (2, D), dtype=jnp.float32) * (1.0 / np.sqrt(D))
    fc_b = jnp.zeros((2,), dtype=jnp.float32)
    return {"ids": ids, "token_emb": token_emb, "fc_w": fc_w, "fc_b": fc_b}

def reference(ids, token_emb, fc_w, fc_b):
    # Router.forward: fc(token_emb(ids[:, 0]))
    first = ids[:, 0]                      # [B]
    emb = jnp.take(token_emb, first, axis=0)  # [B, D] gather
    out = emb @ fc_w.T + fc_b              # [B, 2]
    return out

if __name__ == "__main__":
    import jax
    _d = setup_inputs()
    print(jax.jit(kernel)(*tuple(_d.values())))

</pallas_src>

<mosaic_0001>
#map = affine_map<(d0, d1) -> (0, 0)>
#map1 = affine_map<(d0, d1) -> (0)>
module attributes {stable_mosaic.version = 14 : i64} {
  func.func @k(%arg0: i32, %arg1: i32, %arg2: memref<128x128xi32, #tpu.memory_space<hbm>>, %arg3: memref<1000000x64xf32, #tpu.memory_space<hbm>>, %arg4: memref<144xf32, #tpu.memory_space<hbm>>, %arg5: memref<32768xf32, #tpu.memory_space<hbm>>, %arg6: memref<4x128xi32, #tpu.memory_space<vmem>>, %arg7: memref<512x64xf32, #tpu.memory_space<vmem>>, %arg8: memref<1024xf32, #tpu.memory_space<vmem>>, %arg9: memref<144xf32, #tpu.memory_space<vmem>>, %arg10: memref<!tpu.dma_semaphore, #tpu.memory_space<semaphore_mem>>) attributes {dimension_semantics = [#tpu.dimension_semantics<core_parallel>, #tpu.dimension_semantics<subcore_parallel>], iteration_bounds = array<i64: 2, 16>, scalar_prefetch = 0 : i64, scratch_operands = 5 : i64, tpu.core_type = #tpu.core_type<sc_vector_subcore>, window_params = [{transform_indices = #map}, {transform_indices = #map}, {transform_indices = #map1}, {transform_indices = #map1}]} {
    %mul3A = arith.constant 2 : i32
    %mul3A_0 = arith.muli %arg1, %mul3A : i32
    %add3A = arith.addi %mul3A_0, %arg0 : i32
    %mul3A_1 = arith.constant 512 : i32
    %mul3A_2 = arith.muli %add3A, %mul3A_1 : i32
    "tpu.region"() ({
      %run_scoped3A = tpu.sem_alloc : memref<!tpu.dma_semaphore, #tpu.memory_space<semaphore_mem>>
      tpu.enqueue_dma source(%arg4 : memref<144xf32, #tpu.memory_space<hbm>>) target(%arg9 : memref<144xf32, #tpu.memory_space<vmem>>) target_semaphore(%run_scoped3A : memref<!tpu.dma_semaphore, #tpu.memory_space<semaphore_mem>>)
      tpu.wait_dma2 semaphore(%run_scoped3A : memref<!tpu.dma_semaphore, #tpu.memory_space<semaphore_mem>>) src(%arg4 : memref<144xf32, #tpu.memory_space<hbm>>) dst(%arg9 : memref<144xf32, #tpu.memory_space<vmem>>)
      tpu.yield
    }) : () -> ()
    %mul3A_3 = arith.constant 4 : i32
    %mul3A_4 = arith.muli %add3A, %mul3A_3 : i32
    "tpu.region"() ({
      %run_scoped3A = tpu.sem_alloc : memref<!tpu.dma_semaphore, #tpu.memory_space<semaphore_mem>>
      %dma_start3A_107 = arith.constant 0 : i32
      %dma_start3A_108 = tpu.memref_slice %arg2[%mul3A_4, %dma_start3A_107] : memref<128x128xi32, #tpu.memory_space<hbm>> -> memref<4x128xi32, #tpu.memory_space<hbm>>
      %dma_start3A_109 = arith.constant 0 : i32
      %dma_start3A_110 = tpu.memref_slice %arg2[%mul3A_4, %dma_start3A_109] : memref<128x128xi32, #tpu.memory_space<hbm>> -> memref<4x128xi32, #tpu.memory_space<hbm>>
      tpu.enqueue_dma source(%dma_start3A_110 : memref<4x128xi32, #tpu.memory_space<hbm>>) target(%arg6 : memref<4x128xi32, #tpu.memory_space<vmem>>) target_semaphore(%run_scoped3A : memref<!tpu.dma_semaphore, #tpu.memory_space<semaphore_mem>>)
      %dma_wait3A_111 = arith.constant 0 : i32
      %dma_wait3A_112 = tpu.memref_slice %arg2[%mul3A_4, %dma_wait3A_111] : memref<128x128xi32, #tpu.memory_space<hbm>> -> memref<4x128xi32, #tpu.memory_space<hbm>>
      %dma_wait3A_113 = arith.constant 0 : i32
      %dma_wait3A_114 = tpu.memref_slice %arg2[%mul3A_4, %dma_wait3A_113] : memref<128x128xi32, #tpu.memory_space<hbm>> -> memref<4x128xi32, #tpu.memory_space<hbm>>
      tpu.wait_dma2 semaphore(%run_scoped3A : memref<!tpu.dma_semaphore, #tpu.memory_space<semaphore_mem>>) src(%dma_wait3A_114 : memref<4x128xi32, #tpu.memory_space<hbm>>) dst(%arg6 : memref<4x128xi32, #tpu.memory_space<vmem>>)
      tpu.yield
    }) : () -> ()
    %dma_start3A = arith.constant 0 : i32
    %dma_start3A_5 = arith.constant 0 : i32
    %dma_start3A_6 = arith.constant 0 : i32
    %dma_start3A_7 = tpu.memref_slice %arg7[%dma_start3A_5, %dma_start3A_6] : memref<512x64xf32, #tpu.memory_space<vmem>> -> memref<128x64xf32, #tpu.memory_space<vmem>>
    %dma_start3A_8 = arith.constant 0 : i32
    %dma_start3A_9 = tpu.memref_slice %arg6[%dma_start3A, %dma_start3A_8] : memref<4x128xi32, #tpu.memory_space<vmem>> -> memref<1x128xi32, #tpu.memory_space<vmem>>
    %dma_start3A_10 = tpu.memref_squeeze %dma_start3A_9 : memref<1x128xi32, #tpu.memory_space<vmem>> -> memref<128xi32, #tpu.memory_space<vmem>>
    %dma_start3A_11 = arith.constant 0 : i32
    %dma_start3A_12 = arith.constant 0 : i32
    %dma_start3A_13 = tpu.memref_slice %arg3[%dma_start3A_11, %dma_start3A_12] : memref<1000000x64xf32, #tpu.memory_space<hbm>> -> memref<1000000x64xf32, #tpu.memory_space<hbm>>
    tpu.enqueue_indirect_dma source(%dma_start3A_13 : memref<1000000x64xf32, #tpu.memory_space<hbm>>) target(%dma_start3A_7 : memref<128x64xf32, #tpu.memory_space<vmem>>) offsets(%dma_start3A_10 : memref<128xi32, #tpu.memory_space<vmem>>) semaphore(%arg10 : memref<!tpu.dma_semaphore, #tpu.memory_space<semaphore_mem>>)
    %dma_start3A_14 = arith.constant 1 : i32
    %dma_start3A_15 = arith.constant 128 : i32
    %dma_start3A_16 = arith.constant 0 : i32
    %dma_start3A_17 = tpu.memref_slice %arg7[%dma_start3A_15, %dma_start3A_16] : memref<512x64xf32, #tpu.memory_space<vmem>> -> memref<128x64xf32, #tpu.memory_space<vmem>>
    %dma_start3A_18 = arith.constant 0 : i32
    %dma_start3A_19 = tpu.memref_slice %arg6[%dma_start3A_14, %dma_start3A_18] : memref<4x128xi32, #tpu.memory_space<vmem>> -> memref<1x128xi32, #tpu.memory_space<vmem>>
    %dma_start3A_20 = tpu.memref_squeeze %dma_start3A_19 : memref<1x128xi32, #tpu.memory_space<vmem>> -> memref<128xi32, #tpu.memory_space<vmem>>
    %dma_start3A_21 = arith.constant 0 : i32
    %dma_start3A_22 = arith.constant 0 : i32
    %dma_start3A_23 = tpu.memref_slice %arg3[%dma_start3A_21, %dma_start3A_22] : memref<1000000x64xf32, #tpu.memory_space<hbm>> -> memref<1000000x64xf32, #tpu.memory_space<hbm>>
    tpu.enqueue_indirect_dma source(%dma_start3A_23 : memref<1000000x64xf32, #tpu.memory_space<hbm>>) target(%dma_start3A_17 : memref<128x64xf32, #tpu.memory_space<vmem>>) offsets(%dma_start3A_20 : memref<128xi32, #tpu.memory_space<vmem>>) semaphore(%arg10 : memref<!tpu.dma_semaphore, #tpu.memory_space<semaphore_mem>>)
    %dma_start3A_24 = arith.constant 2 : i32
    %dma_start3A_25 = arith.constant 256 : i32
    %dma_start3A_26 = arith.constant 0 : i32
    %dma_start3A_27 = tpu.memref_slice %arg7[%dma_start3A_25, %dma_start3A_26] : memref<512x64xf32, #tpu.memory_space<vmem>> -> memref<128x64xf32, #tpu.memory_space<vmem>>
    %dma_start3A_28 = arith.constant 0 : i32
    %dma_start3A_29 = tpu.memref_slice %arg6[%dma_start3A_24, %dma_start3A_28] : memref<4x128xi32, #tpu.memory_space<vmem>> -> memref<1x128xi32, #tpu.memory_space<vmem>>
    %dma_start3A_30 = tpu.memref_squeeze %dma_start3A_29 : memref<1x128xi32, #tpu.memory_space<vmem>> -> memref<128xi32, #tpu.memory_space<vmem>>
    %dma_start3A_31 = arith.constant 0 : i32
    %dma_start3A_32 = arith.constant 0 : i32
    %dma_start3A_33 = tpu.memref_slice %arg3[%dma_start3A_31, %dma_start3A_32] : memref<1000000x64xf32, #tpu.memory_space<hbm>> -> memref<1000000x64xf32, #tpu.memory_space<hbm>>
    tpu.enqueue_indirect_dma source(%dma_start3A_33 : memref<1000000x64xf32, #tpu.memory_space<hbm>>) target(%dma_start3A_27 : memref<128x64xf32, #tpu.memory_space<vmem>>) offsets(%dma_start3A_30 : memref<128xi32, #tpu.memory_space<vmem>>) semaphore(%arg10 : memref<!tpu.dma_semaphore, #tpu.memory_space<semaphore_mem>>)
    %dma_start3A_34 = arith.constant 3 : i32
    %dma_start3A_35 = arith.constant 384 : i32
    %dma_start3A_36 = arith.constant 0 : i32
    %dma_start3A_37 = tpu.memref_slice %arg7[%dma_start3A_35, %dma_start3A_36] : memref<512x64xf32, #tpu.memory_space<vmem>> -> memref<128x64xf32, #tpu.memory_space<vmem>>
    %dma_start3A_38 = arith.constant 0 : i32
    %dma_start3A_39 = tpu.memref_slice %arg6[%dma_start3A_34, %dma_start3A_38] : memref<4x128xi32, #tpu.memory_space<vmem>> -> memref<1x128xi32, #tpu.memory_space<vmem>>
    %dma_start3A_40 = tpu.memref_squeeze %dma_start3A_39 : memref<1x128xi32, #tpu.memory_space<vmem>> -> memref<128xi32, #tpu.memory_space<vmem>>
    %dma_start3A_41 = arith.constant 0 : i32
    %dma_start3A_42 = arith.constant 0 : i32
    %dma_start3A_43 = tpu.memref_slice %arg3[%dma_start3A_41, %dma_start3A_42] : memref<1000000x64xf32, #tpu.memory_space<hbm>> -> memref<1000000x64xf32, #tpu.memory_space<hbm>>
    tpu.enqueue_indirect_dma source(%dma_start3A_43 : memref<1000000x64xf32, #tpu.memory_space<hbm>>) target(%dma_start3A_37 : memref<128x64xf32, #tpu.memory_space<vmem>>) offsets(%dma_start3A_40 : memref<128xi32, #tpu.memory_space<vmem>>) semaphore(%arg10 : memref<!tpu.dma_semaphore, #tpu.memory_space<semaphore_mem>>)
    %dma_wait3A = arith.constant 0 : i32
    %dma_wait3A_44 = arith.constant 0 : i32
    %dma_wait3A_45 = arith.constant 0 : i32
    %dma_wait3A_46 = tpu.memref_slice %arg7[%dma_wait3A_44, %dma_wait3A_45] : memref<512x64xf32, #tpu.memory_space<vmem>> -> memref<128x64xf32, #tpu.memory_space<vmem>>
    %dma_wait3A_47 = arith.constant 0 : i32
    %dma_wait3A_48 = tpu.memref_slice %arg6[%dma_wait3A, %dma_wait3A_47] : memref<4x128xi32, #tpu.memory_space<vmem>> -> memref<1x128xi32, #tpu.memory_space<vmem>>
    %dma_wait3A_49 = tpu.memref_squeeze %dma_wait3A_48 : memref<1x128xi32, #tpu.memory_space<vmem>> -> memref<128xi32, #tpu.memory_space<vmem>>
    %dma_wait3A_50 = arith.constant 0 : i32
    %dma_wait3A_51 = arith.constant 0 : i32
    %dma_wait3A_52 = tpu.memref_slice %arg3[%dma_wait3A_50, %dma_wait3A_51] : memref<1000000x64xf32, #tpu.memory_space<hbm>> -> memref<1000000x64xf32, #tpu.memory_space<hbm>>
    tpu.wait_indirect_dma semaphore(%arg10 : memref<!tpu.dma_semaphore, #tpu.memory_space<semaphore_mem>>) src(%dma_wait3A_52 : memref<1000000x64xf32, #tpu.memory_space<hbm>>) dst(%dma_wait3A_46 : memref<128x64xf32, #tpu.memory_space<vmem>>)
    %dma_wait3A_53 = arith.constant 1 : i32
    %dma_wait3A_54 = arith.constant 128 : i32
    %dma_wait3A_55 = arith.constant 0 : i32
    %dma_wait3A_56 = tpu.memref_slice %arg7[%dma_wait3A_54, %dma_wait3A_55] : memref<512x64xf32, #tpu.memory_space<vmem>> -> memref<128x64xf32, #tpu.memory_space<vmem>>
    %dma_wait3A_57 = arith.constant 0 : i32
    %dma_wait3A_58 = tpu.memref_slice %arg6[%dma_wait3A_53, %dma_wait3A_57] : memref<4x128xi32, #tpu.memory_space<vmem>> -> memref<1x128xi32, #tpu.memory_space<vmem>>
    %dma_wait3A_59 = tpu.memref_squeeze %dma_wait3A_58 : memref<1x128xi32, #tpu.memory_space<vmem>> -> memref<128xi32, #tpu.memory_space<vmem>>
    %dma_wait3A_60 = arith.constant 0 : i32
    %dma_wait3A_61 = arith.constant 0 : i32
    %dma_wait3A_62 = tpu.memref_slice %arg3[%dma_wait3A_60, %dma_wait3A_61] : memref<1000000x64xf32, #tpu.memory_space<hbm>> -> memref<1000000x64xf32, #tpu.memory_space<hbm>>
    tpu.wait_indirect_dma semaphore(%arg10 : memref<!tpu.dma_semaphore, #tpu.memory_space<semaphore_mem>>) src(%dma_wait3A_62 : memref<1000000x64xf32, #tpu.memory_space<hbm>>) dst(%dma_wait3A_56 : memref<128x64xf32, #tpu.memory_space<vmem>>)
    %dma_wait3A_63 = arith.constant 2 : i32
    %dma_wait3A_64 = arith.constant 256 : i32
    %dma_wait3A_65 = arith.constant 0 : i32
    %dma_wait3A_66 = tpu.memref_slice %arg7[%dma_wait3A_64, %dma_wait3A_65] : memref<512x64xf32, #tpu.memory_space<vmem>> -> memref<128x64xf32, #tpu.memory_space<vmem>>
    %dma_wait3A_67 = arith.constant 0 : i32
    %dma_wait3A_68 = tpu.memref_slice %arg6[%dma_wait3A_63, %dma_wait3A_67] : memref<4x128xi32, #tpu.memory_space<vmem>> -> memref<1x128xi32, #tpu.memory_space<vmem>>
    %dma_wait3A_69 = tpu.memref_squeeze %dma_wait3A_68 : memref<1x128xi32, #tpu.memory_space<vmem>> -> memref<128xi32, #tpu.memory_space<vmem>>
    %dma_wait3A_70 = arith.constant 0 : i32
    %dma_wait3A_71 = arith.constant 0 : i32
    %dma_wait3A_72 = tpu.memref_slice %arg3[%dma_wait3A_70, %dma_wait3A_71] : memref<1000000x64xf32, #tpu.memory_space<hbm>> -> memref<1000000x64xf32, #tpu.memory_space<hbm>>
    tpu.wait_indirect_dma semaphore(%arg10 : memref<!tpu.dma_semaphore, #tpu.memory_space<semaphore_mem>>) src(%dma_wait3A_72 : memref<1000000x64xf32, #tpu.memory_space<hbm>>) dst(%dma_wait3A_66 : memref<128x64xf32, #tpu.memory_space<vmem>>)
    %dma_wait3A_73 = arith.constant 3 : i32
    %dma_wait3A_74 = arith.constant 384 : i32
    %dma_wait3A_75 = arith.constant 0 : i32
    %dma_wait3A_76 = tpu.memref_slice %arg7[%dma_wait3A_74, %dma_wait3A_75] : memref<512x64xf32, #tpu.memory_space<vmem>> -> memref<128x64xf32, #tpu.memory_space<vmem>>
    %dma_wait3A_77 = arith.constant 0 : i32
    %dma_wait3A_78 = tpu.memref_slice %arg6[%dma_wait3A_73, %dma_wait3A_77] : memref<4x128xi32, #tpu.memory_space<vmem>> -> memref<1x128xi32, #tpu.memory_space<vmem>>
    %dma_wait3A_79 = tpu.memref_squeeze %dma_wait3A_78 : memref<1x128xi32, #tpu.memory_space<vmem>> -> memref<128xi32, #tpu.memory_space<vmem>>
    %dma_wait3A_80 = arith.constant 0 : i32
    %dma_wait3A_81 = arith.constant 0 : i32
    %dma_wait3A_82 = tpu.memref_slice %arg3[%dma_wait3A_80, %dma_wait3A_81] : memref<1000000x64xf32, #tpu.memory_space<hbm>> -> memref<1000000x64xf32, #tpu.memory_space<hbm>>
    tpu.wait_indirect_dma semaphore(%arg10 : memref<!tpu.dma_semaphore, #tpu.memory_space<semaphore_mem>>) src(%dma_wait3A_82 : memref<1000000x64xf32, #tpu.memory_space<hbm>>) dst(%dma_wait3A_76 : memref<128x64xf32, #tpu.memory_space<vmem>>)
    %iota3A = tpu.iota {dimensions = array<i32: 0>} : vector<16xi32>
    %get3A = arith.constant 0 : index
    %get3A_83 = tpu.vector_load %arg9[%get3A] {strides = array<i32>} : memref<144xf32, #tpu.memory_space<vmem>>, vector<16xf32>,
    %get3A_84 = arith.constant 16 : index
    %get3A_85 = tpu.vector_load %arg9[%get3A_84] {strides = array<i32>} : memref<144xf32, #tpu.memory_space<vmem>>, vector<16xf32>,
    %get3A_86 = arith.constant 32 : index
    %get3A_87 = tpu.vector_load %arg9[%get3A_86] {strides = array<i32>} : memref<144xf32, #tpu.memory_space<vmem>>, vector<16xf32>,
    %get3A_88 = arith.constant 48 : index
    %get3A_89 = tpu.vector_load %arg9[%get3A_88] {strides = array<i32>} : memref<144xf32, #tpu.memory_space<vmem>>, vector<16xf32>,
    %get3A_90 = arith.constant 64 : index
    %get3A_91 = tpu.vector_load %arg9[%get3A_90] {strides = array<i32>} : memref<144xf32, #tpu.memory_space<vmem>>, vector<16xf32>,
    %get3A_92 = arith.constant 80 : index
    %get3A_93 = tpu.vector_load %arg9[%get3A_92] {strides = array<i32>} : memref<144xf32, #tpu.memory_space<vmem>>, vector<16xf32>,
    %get3A_94 = arith.constant 96 : index
    %get3A_95 = tpu.vector_load %arg9[%get3A_94] {strides = array<i32>} : memref<144xf32, #tpu.memory_space<vmem>>, vector<16xf32>,
    %get3A_96 = arith.constant 112 : index
    %get3A_97 = tpu.vector_load %arg9[%get3A_96] {strides = array<i32>} : memref<144xf32, #tpu.memory_space<vmem>>, vector<16xf32>,
    %get3A_98 = arith.constant 128 : index
    %get3A_99 = tpu.vector_load %arg9[%get3A_98] {strides = array<i32>} : memref<144xf32, #tpu.memory_space<vmem>>, vector<16xf32>,
    %scan3A = arith.constant 0 : i32
    %scan3A_100 = arith.constant 0 : i32
    %scan3A_101 = arith.constant 32 : i32
    %scan3A_102 = arith.addi %scan3A_100, %scan3A_101 : i32
    %scan3A_103 = arith.constant 1 : i32
    scf.for %scan3A_107 = %scan3A_100 to %scan3A_102 step %scan3A_103  : i32 {
      %mul3A_108 = arith.constant 16 : i32
      %mul3A_109 = arith.muli %scan3A_107, %mul3A_108 : i32
      %add3A_110 = vector.broadcast %mul3A_109 : i32 to vector<16xi32>
      %add3A_111 = arith.addi %iota3A, %add3A_110 : vector<16xi32>
      %broadcast_in_dim3A = arith.constant 0.000000e+00 : f32
      %broadcast_in_dim3A_112 = vector.broadcast %broadcast_in_dim3A : f32 to vector<16xf32>
      %broadcast_in_dim3A_113 = arith.constant 0.000000e+00 : f32
      %broadcast_in_dim3A_114 = vector.broadcast %broadcast_in_dim3A_113 : f32 to vector<16xf32>
      %broadcast_in_dim3A_115 = arith.constant 0 : i32
      %broadcast_in_dim3A_116 = vector.broadcast %broadcast_in_dim3A_115 : i32 to vector<16xi32>
      %gather3A = tpu.vector_load_idx %arg7[%add3A_111, %broadcast_in_dim3A_116] : memref<512x64xf32, #tpu.memory_space<vmem>>[vector<16xi32>, vector<16xi32>], vector<16xf32>,
      %slice3A = vector.extract_strided_slice %get3A_83 {offsets = [0], sizes = [1], strides = [1]} : vector<16xf32> to vector<1xf32>
      %squeeze3A = vector.extract %slice3A[0] : f32 from vector<1xf32>
      %mul3A_117 = vector.broadcast %squeeze3A : f32 to vector<16xf32>
      %mul3A_118 = arith.mulf %gather3A, %mul3A_117 : vector<16xf32>
      %add3A_119 = arith.addf %broadcast_in_dim3A_112, %mul3A_118 : vector<16xf32>
      %slice3A_120 = vector.extract_strided_slice %get3A_91 {offsets = [0], sizes = [1], strides = [1]} : vector<16xf32> to vector<1xf32>
      %squeeze3A_121 = vector.extract %slice3A_120[0] : f32 from vector<1xf32>
      %mul3A_122 = vector.broadcast %squeeze3A_121 : f32 to vector<16xf32>
      %mul3A_123 = arith.mulf %gather3A, %mul3A_122 : vector<16xf32>
      %add3A_124 = arith.addf %broadcast_in_dim3A_114, %mul3A_123 : vector<16xf32>
      %broadcast_in_dim3A_125 = arith.constant 1 : i32
      %broadcast_in_dim3A_126 = vector.broadcast %broadcast_in_dim3A_125 : i32 to vector<16xi32>
      %gather3A_127 = tpu.vector_load_idx %arg7[%add3A_111, %broadcast_in_dim3A_126] : memref<512x64xf32, #tpu.memory_space<vmem>>[vector<16xi32>, vector<16xi32>], vector<16xf32>,
      %slice3A_128 = vector.extract_strided_slice %get3A_83 {offsets = [1], sizes = [1], strides = [1]} : vector<16xf32> to vector<1xf32>
      %squeeze3A_129 = vector.extract %slice3A_128[0] : f32 from vector<1xf32>
      %mul3A_130 = vector.broadcast %squeeze3A_129 : f32 to vector<16xf32>
      %mul3A_131 = arith.mulf %gather3A_127, %mul3A_130 : vector<16xf32>
      %add3A_132 = arith.addf %add3A_119, %mul3A_131 : vector<16xf32>
      %slice3A_133 = vector.extract_strided_slice %get3A_91 {offsets = [1], sizes = [1], strides = [1]} : vector<16xf32> to vector<1xf32>
      %squeeze3A_134 = vector.extract %slice3A_133[0] : f32 from vector<1xf32>
      %mul3A_135 = vector.broadcast %squeeze3A_134 : f32 to vector<16xf32>
      %mul3A_136 = arith.mulf %gather3A_127, %mul3A_135 : vector<16xf32>
      %add3A_137 = arith.addf %add3A_124, %mul3A_136 : vector<16xf32>
      %broadcast_in_dim3A_138 = arith.constant 2 : i32
      %broadcast_in_dim3A_139 = vector.broadcast %broadcast_in_dim3A_138 : i32 to vector<16xi32>
      %gather3A_140 = tpu.vector_load_idx %arg7[%add3A_111, %broadcast_in_dim3A_139] : memref<512x64xf32, #tpu.memory_space<vmem>>[vector<16xi32>, vector<16xi32>], vector<16xf32>,
      %slice3A_141 = vector.extract_strided_slice %get3A_83 {offsets = [2], sizes = [1], strides = [1]} : vector<16xf32> to vector<1xf32>
      %squeeze3A_142 = vector.extract %slice3A_141[0] : f32 from vector<1xf32>
      %mul3A_143 = vector.broadcast %squeeze3A_142 : f32 to vector<16xf32>
      %mul3A_144 = arith.mulf %gather3A_140, %mul3A_143 : vector<16xf32>
      %add3A_145 = arith.addf %add3A_132, %mul3A_144 : vector<16xf32>
      %slice3A_146 = vector.extract_strided_slice %get3A_91 {offsets = [2], sizes = [1], strides = [1]} : vector<16xf32> to vector<1xf32>
      %squeeze3A_147 = vector.extract %slice3A_146[0] : f32 from vector<1xf32>
      %mul3A_148 = vector.broadcast %squeeze3A_147 : f32 to vector<16xf32>
      %mul3A_149 = arith.mulf %gather3A_140, %mul3A_148 : vector<16xf32>
      %add3A_150 = arith.addf %add3A_137, %mul3A_149 : vector<16xf32>
      %broadcast_in_dim3A_151 = arith.constant 3 : i32
      %broadcast_in_dim3A_152 = vector.broadcast %broadcast_in_dim3A_151 : i32 to vector<16xi32>
      %gather3A_153 = tpu.vector_load_idx %arg7[%add3A_111, %broadcast_in_dim3A_152] : memref<512x64xf32, #tpu.memory_space<vmem>>[vector<16xi32>, vector<16xi32>], vector<16xf32>,
      %slice3A_154 = vector.extract_strided_slice %get3A_83 {offsets = [3], sizes = [1], strides = [1]} : vector<16xf32> to vector<1xf32>
      %squeeze3A_155 = vector.extract %slice3A_154[0] : f32 from vector<1xf32>
      %mul3A_156 = vector.broadcast %squeeze3A_155 : f32 to vector<16xf32>
      %mul3A_157 = arith.mulf %gather3A_153, %mul3A_156 : vector<16xf32>
      %add3A_158 = arith.addf %add3A_145, %mul3A_157 : vector<16xf32>
      %slice3A_159 = vector.extract_strided_slice %get3A_91 {offsets = [3], sizes = [1], strides = [1]} : vector<16xf32> to vector<1xf32>
      %squeeze3A_160 = vector.extract %slice3A_159[0] : f32 from vector<1xf32>
      %mul3A_161 = vector.broadcast %squeeze3A_160 : f32 to vector<16xf32>
      %mul3A_162 = arith.mulf %gather3A_153, %mul3A_161 : vector<16xf32>
      %add3A_163 = arith.addf %add3A_150, %mul3A_162 : vector<16xf32>
      %broadcast_in_dim3A_164 = arith.constant 4 : i32
      %broadcast_in_dim3A_165 = vector.broadcast %broadcast_in_dim3A_164 : i32 to vector<16xi32>
      %gather3A_166 = tpu.vector_load_idx %arg7[%add3A_111, %broadcast_in_dim3A_165] : memref<512x64xf32, #tpu.memory_space<vmem>>[vector<16xi32>, vector<16xi32>], vector<16xf32>,
      %slice3A_167 = vector.extract_strided_slice %get3A_83 {offsets = [4], sizes = [1], strides = [1]} : vector<16xf32> to vector<1xf32>
      %squeeze3A_168 = vector.extract %slice3A_167[0] : f32 from vector<1xf32>
      %mul3A_169 = vector.broadcast %squeeze3A_168 : f32 to vector<16xf32>
      %mul3A_170 = arith.mulf %gather3A_166, %mul3A_169 : vector<16xf32>
      %add3A_171 = arith.addf %add3A_158, %mul3A_170 : vector<16xf32>
      %slice3A_172 = vector.extract_strided_slice %get3A_91 {offsets = [4], sizes = [1], strides = [1]} : vector<16xf32> to vector<1xf32>
      %squeeze3A_173 = vector.extract %slice3A_172[0] : f32 from vector<1xf32>
      %mul3A_174 = vector.broadcast %squeeze3A_173 : f32 to vector<16xf32>
      %mul3A_175 = arith.mulf %gather3A_166, %mul3A_174 : vector<16xf32>
      %add3A_176 = arith.addf %add3A_163, %mul3A_175 : vector<16xf32>
      %broadcast_in_dim3A_177 = arith.constant 5 : i32
      %broadcast_in_dim3A_178 = vector.broadcast %broadcast_in_dim3A_177 : i32 to vector<16xi32>
      %gather3A_179 = tpu.vector_load_idx %arg7[%add3A_111, %broadcast_in_dim3A_178] : memref<512x64xf32, #tpu.memory_space<vmem>>[vector<16xi32>, vector<16xi32>], vector<16xf32>,
      %slice3A_180 = vector.extract_strided_slice %get3A_83 {offsets = [5], sizes = [1], strides = [1]} : vector<16xf32> to vector<1xf32>
      %squeeze3A_181 = vector.extract %slice3A_180[0] : f32 from vector<1xf32>
      %mul3A_182 = vector.broadcast %squeeze3A_181 : f32 to vector<16xf32>
      %mul3A_183 = arith.mulf %gather3A_179, %mul3A_182 : vector<16xf32>
      %add3A_184 = arith.addf %add3A_171, %mul3A_183 : vector<16xf32>
      %slice3A_185 = vector.extract_strided_slice %get3A_91 {offsets = [5], sizes = [1], strides = [1]} : vector<16xf32> to vector<1xf32>
      %squeeze3A_186 = vector.extract %slice3A_185[0] : f32 from vector<1xf32>
      %mul3A_187 = vector.broadcast %squeeze3A_186 : f32 to vector<16xf32>
      %mul3A_188 = arith.mulf %gather3A_179, %mul3A_187 : vector<16xf32>
      %add3A_189 = arith.addf %add3A_176, %mul3A_188 : vector<16xf32>
      %broadcast_in_dim3A_190 = arith.constant 6 : i32
      %broadcast_in_dim3A_191 = vector.broadcast %broadcast_in_dim3A_190 : i32 to vector<16xi32>
      %gather3A_192 = tpu.vector_load_idx %arg7[%add3A_111, %broadcast_in_dim3A_191] : memref<512x64xf32, #tpu.memory_space<vmem>>[vector<16xi32>, vector<16xi32>], vector<16xf32>,
      %slice3A_193 = vector.extract_strided_slice %get3A_83 {offsets = [6], sizes = [1], strides = [1]} : vector<16xf32> to vector<1xf32>
      %squeeze3A_194 = vector.extract %slice3A_193[0] : f32 from vector<1xf32>
      %mul3A_195 = vector.broadcast %squeeze3A_194 : f32 to vector<16xf32>
      %mul3A_196 = arith.mulf %gather3A_192, %mul3A_195 : vector<16xf32>
      %add3A_197 = arith.addf %add3A_184, %mul3A_196 : vector<16xf32>
      %slice3A_198 = vector.extract_strided_slice %get3A_91 {offsets = [6], sizes = [1], strides = [1]} : vector<16xf32> to vector<1xf32>
      %squeeze3A_199 = vector.extract %slice3A_198[0] : f32 from vector<1xf32>
      %mul3A_200 = vector.broadcast %squeeze3A_199 : f32 to vector<16xf32>
      %mul3A_201 = arith.mulf %gather3A_192, %mul3A_200 : vector<16xf32>
      %add3A_202 = arith.addf %add3A_189, %mul3A_201 : vector<16xf32>
      %broadcast_in_dim3A_203 = arith.constant 7 : i32
      %broadcast_in_dim3A_204 = vector.broadcast %broadcast_in_dim3A_203 : i32 to vector<16xi32>
      %gather3A_205 = tpu.vector_load_idx %arg7[%add3A_111, %broadcast_in_dim3A_204] : memref<512x64xf32, #tpu.memory_space<vmem>>[vector<16xi32>, vector<16xi32>], vector<16xf32>,
      %slice3A_206 = vector.extract_strided_slice %get3A_83 {offsets = [7], sizes = [1], strides = [1]} : vector<16xf32> to vector<1xf32>
      %squeeze3A_207 = vector.extract %slice3A_206[0] : f32 from vector<1xf32>
      %mul3A_208 = vector.broadcast %squeeze3A_207 : f32 to vector<16xf32>
      %mul3A_209 = arith.mulf %gather3A_205, %mul3A_208 : vector<16xf32>
      %add3A_210 = arith.addf %add3A_197, %mul3A_209 : vector<16xf32>
      %slice3A_211 = vector.extract_strided_slice %get3A_91 {offsets = [7], sizes = [1], strides = [1]} : vector<16xf32> to vector<1xf32>
      %squeeze3A_212 = vector.extract %slice3A_211[0] : f32 from vector<1xf32>
      %mul3A_213 = vector.broadcast %squeeze3A_212 : f32 to vector<16xf32>
      %mul3A_214 = arith.mulf %gather3A_205, %mul3A_213 : vector<16xf32>
      %add3A_215 = arith.addf %add3A_202, %mul3A_214 : vector<16xf32>
      %broadcast_in_dim3A_216 = arith.constant 8 : i32
      %broadcast_in_dim3A_217 = vector.broadcast %broadcast_in_dim3A_216 : i32 to vector<16xi32>
      %gather3A_218 = tpu.vector_load_idx %arg7[%add3A_111, %broadcast_in_dim3A_217] : memref<512x64xf32, #tpu.memory_space<vmem>>[vector<16xi32>, vector<16xi32>], vector<16xf32>,
      %slice3A_219 = vector.extract_strided_slice %get3A_83 {offsets = [8], sizes = [1], strides = [1]} : vector<16xf32> to vector<1xf32>
      %squeeze3A_220 = vector.extract %slice3A_219[0] : f32 from vector<1xf32>
      %mul3A_221 = vector.broadcast %squeeze3A_220 : f32 to vector<16xf32>
      %mul3A_222 = arith.mulf %gather3A_218, %mul3A_221 : vector<16xf32>
      %add3A_223 = arith.addf %add3A_210, %mul3A_222 : vector<16xf32>
      %slice3A_224 = vector.extract_strided_slice %get3A_91 {offsets = [8], sizes = [1], strides = [1]} : vector<16xf32> to vector<1xf32>
      %squeeze3A_225 = vector.extract %slice3A_224[0] : f32 from vector<1xf32>
      %mul3A_226 = vector.broadcast %squeeze3A_225 : f32 to vector<16xf32>
      %mul3A_227 = arith.mulf %gather3A_218, %mul3A_226 : vector<16xf32>
      %add3A_228 = arith.addf %add3A_215, %mul3A_227 : vector<16xf32>
      %broadcast_in_dim3A_229 = arith.constant 9 : i32
      %broadcast_in_dim3A_230 = vector.broadcast %broadcast_in_dim3A_229 : i32 to vector<16xi32>
      %gather3A_231 = tpu.vector_load_idx %arg7[%add3A_111, %broadcast_in_dim3A_230] : memref<512x64xf32, #tpu.memory_space<vmem>>[vector<16xi32>, vector<16xi32>], vector<16xf32>,
      %slice3A_232 = vector.extract_strided_slice %get3A_83 {offsets = [9], sizes = [1], strides = [1]} : vector<16xf32> to vector<1xf32>
      %squeeze3A_233 = vector.extract %slice3A_232[0] : f32 from vector<1xf32>
      %mul3A_234 = vector.broadcast %squeeze3A_233 : f32 to vector<16xf32>
      %mul3A_235 = arith.mulf %gather3A_231, %mul3A_234 : vector<16xf32>
      %add3A_236 = arith.addf %add3A_223, %mul3A_235 : vector<16xf32>
      %slice3A_237 = vector.extract_strided_slice %get3A_91 {offsets = [9], sizes = [1], strides = [1]} : vector<16xf32> to vector<1xf32>
      %squeeze3A_238 = vector.extract %slice3A_237[0] : f32 from vector<1xf32>
      %mul3A_239 = vector.broadcast %squeeze3A_238 : f32 to vector<16xf32>
      %mul3A_240 = arith.mulf %gather3A_231, %mul3A_239 : vector<16xf32>
      %add3A_241 = arith.addf %add3A_228, %mul3A_240 : vector<16xf32>
      %broadcast_in_dim3A_242 = arith.constant 10 : i32
      %broadcast_in_dim3A_243 = vector.broadcast %broadcast_in_dim3A_242 : i32 to vector<16xi32>
      %gather3A_244 = tpu.vector_load_idx %arg7[%add3A_111, %broadcast_in_dim3A_243] : memref<512x64xf32, #tpu.memory_space<vmem>>[vector<16xi32>, vector<16xi32>], vector<16xf32>,
      %slice3A_245 = vector.extract_strided_slice %get3A_83 {offsets = [10], sizes = [1], strides = [1]} : vector<16xf32> to vector<1xf32>
      %squeeze3A_246 = vector.extract %slice3A_245[0] : f32 from vector<1xf32>
      %mul3A_247 = vector.broadcast %squeeze3A_246 : f32 to vector<16xf32>
      %mul3A_248 = arith.mulf %gather3A_244, %mul3A_247 : vector<16xf32>
      %add3A_249 = arith.addf %add3A_236, %mul3A_248 : vector<16xf32>
      %slice3A_250 = vector.extract_strided_slice %get3A_91 {offsets = [10], sizes = [1], strides = [1]} : vector<16xf32> to vector<1xf32>
      %squeeze3A_251 = vector.extract %slice3A_250[0] : f32 from vector<1xf32>
      %mul3A_252 = vector.broadcast %squeeze3A_251 : f32 to vector<16xf32>
      %mul3A_253 = arith.mulf %gather3A_244, %mul3A_252 : vector<16xf32>
      %add3A_254 = arith.addf %add3A_241, %mul3A_253 : vector<16xf32>
      %broadcast_in_dim3A_255 = arith.constant 11 : i32
      %broadcast_in_dim3A_256 = vector.broadcast %broadcast_in_dim3A_255 : i32 to vector<16xi32>
      %gather3A_257 = tpu.vector_load_idx %arg7[%add3A_111, %broadcast_in_dim3A_256] : memref<512x64xf32, #tpu.memory_space<vmem>>[vector<16xi32>, vector<16xi32>], vector<16xf32>,
      %slice3A_258 = vector.extract_strided_slice %get3A_83 {offsets = [11], sizes = [1], strides = [1]} : vector<16xf32> to vector<1xf32>
      %squeeze3A_259 = vector.extract %slice3A_258[0] : f32 from vector<1xf32>
      %mul3A_260 = vector.broadcast %squeeze3A_259 : f32 to vector<16xf32>
      %mul3A_261 = arith.mulf %gather3A_257, %mul3A_260 : vector<16xf32>
      %add3A_262 = arith.addf %add3A_249, %mul3A_261 : vector<16xf32>
      %slice3A_263 = vector.extract_strided_slice %get3A_91 {offsets = [11], sizes = [1], strides = [1]} : vector<16xf32> to vector<1xf32>
      %squeeze3A_264 = vector.extract %slice3A_263[0] : f32 from vector<1xf32>
      %mul3A_265 = vector.broadcast %squeeze3A_264 : f32 to vector<16xf32>
      %mul3A_266 = arith.mulf %gather3A_257, %mul3A_265 : vector<16xf32>
      %add3A_267 = arith.addf %add3A_254, %mul3A_266 : vector<16xf32>
      %broadcast_in_dim3A_268 = arith.constant 12 : i32
      %broadcast_in_dim3A_269 = vector.broadcast %broadcast_in_dim3A_268 : i32 to vector<16xi32>
      %gather3A_270 = tpu.vector_load_idx %arg7[%add3A_111, %broadcast_in_dim3A_269] : memref<512x64xf32, #tpu.memory_space<vmem>>[vector<16xi32>, vector<16xi32>], vector<16xf32>,
      %slice3A_271 = vector.extract_strided_slice %get3A_83 {offsets = [12], sizes = [1], strides = [1]} : vector<16xf32> to vector<1xf32>
      %squeeze3A_272 = vector.extract %slice3A_271[0] : f32 from vector<1xf32>
      %mul3A_273 = vector.broadcast %squeeze3A_272 : f32 to vector<16xf32>
      %mul3A_274 = arith.mulf %gather3A_270, %mul3A_273 : vector<16xf32>
      %add3A_275 = arith.addf %add3A_262, %mul3A_274 : vector<16xf32>
      %slice3A_276 = vector.extract_strided_slice %get3A_91 {offsets = [12], sizes = [1], strides = [1]} : vector<16xf32> to vector<1xf32>
      %squeeze3A_277 = vector.extract %slice3A_276[0] : f32 from vector<1xf32>
      %mul3A_278 = vector.broadcast %squeeze3A_277 : f32 to vector<16xf32>
      %mul3A_279 = arith.mulf %gather3A_270, %mul3A_278 : vector<16xf32>
      %add3A_280 = arith.addf %add3A_267, %mul3A_279 : vector<16xf32>
      %broadcast_in_dim3A_281 = arith.constant 13 : i32
      %broadcast_in_dim3A_282 = vector.broadcast %broadcast_in_dim3A_281 : i32 to vector<16xi32>
      %gather3A_283 = tpu.vector_load_idx %arg7[%add3A_111, %broadcast_in_dim3A_282] : memref<512x64xf32, #tpu.memory_space<vmem>>[vector<16xi32>, vector<16xi32>], vector<16xf32>,
      %slice3A_284 = vector.extract_strided_slice %get3A_83 {offsets = [13], sizes = [1], strides = [1]} : vector<16xf32> to vector<1xf32>
      %squeeze3A_285 = vector.extract %slice3A_284[0] : f32 from vector<1xf32>
      %mul3A_286 = vector.broadcast %squeeze3A_285 : f32 to vector<16xf32>
      %mul3A_287 = arith.mulf %gather3A_283, %mul3A_286 : vector<16xf32>
      %add3A_288 = arith.addf %add3A_275, %mul3A_287 : vector<16xf32>
      %slice3A_289 = vector.extract_strided_slice %get3A_91 {offsets = [13], sizes = [1], strides = [1]} : vector<16xf32> to vector<1xf32>
      %squeeze3A_290 = vector.extract %slice3A_289[0] : f32 from vector<1xf32>
      %mul3A_291 = vector.broadcast %squeeze3A_290 : f32 to vector<16xf32>
      %mul3A_292 = arith.mulf %gather3A_283, %mul3A_291 : vector<16xf32>
      %add3A_293 = arith.addf %add3A_280, %mul3A_292 : vector<16xf32>
      %broadcast_in_dim3A_294 = arith.constant 14 : i32
      %broadcast_in_dim3A_295 = vector.broadcast %broadcast_in_dim3A_294 : i32 to vector<16xi32>
      %gather3A_296 = tpu.vector_load_idx %arg7[%add3A_111, %broadcast_in_dim3A_295] : memref<512x64xf32, #tpu.memory_space<vmem>>[vector<16xi32>, vector<16xi32>], vector<16xf32>,
      %slice3A_297 = vector.extract_strided_slice %get3A_83 {offsets = [14], sizes = [1], strides = [1]} : vector<16xf32> to vector<1xf32>
      %squeeze3A_298 = vector.extract %slice3A_297[0] : f32 from vector<1xf32>
      %mul3A_299 = vector.broadcast %squeeze3A_298 : f32 to vector<16xf32>
      %mul3A_300 = arith.mulf %gather3A_296, %mul3A_299 : vector<16xf32>
      %add3A_301 = arith.addf %add3A_288, %mul3A_300 : vector<16xf32>
      %slice3A_302 = vector.extract_strided_slice %get3A_91 {offsets = [14], sizes = [1], strides = [1]} : vector<16xf32> to vector<1xf32>
      %squeeze3A_303 = vector.extract %slice3A_302[0] : f32 from vector<1xf32>
      %mul3A_304 = vector.broadcast %squeeze3A_303 : f32 to vector<16xf32>
      %mul3A_305 = arith.mulf %gather3A_296, %mul3A_304 : vector<16xf32>
      %add3A_306 = arith.addf %add3A_293, %mul3A_305 : vector<16xf32>
      %broadcast_in_dim3A_307 = arith.constant 15 : i32
      %broadcast_in_dim3A_308 = vector.broadcast %broadcast_in_dim3A_307 : i32 to vector<16xi32>
      %gather3A_309 = tpu.vector_load_idx %arg7[%add3A_111, %broadcast_in_dim3A_308] : memref<512x64xf32, #tpu.memory_space<vmem>>[vector<16xi32>, vector<16xi32>], vector<16xf32>,
      %slice3A_310 = vector.extract_strided_slice %get3A_83 {offsets = [15], sizes = [1], strides = [1]} : vector<16xf32> to vector<1xf32>
      %squeeze3A_311 = vector.extract %slice3A_310[0] : f32 from vector<1xf32>
      %mul3A_312 = vector.broadcast %squeeze3A_311 : f32 to vector<16xf32>
      %mul3A_313 = arith.mulf %gather3A_309, %mul3A_312 : vector<16xf32>
      %add3A_314 = arith.addf %add3A_301, %mul3A_313 : vector<16xf32>
      %slice3A_315 = vector.extract_strided_slice %get3A_91 {offsets = [15], sizes = [1], strides = [1]} : vector<16xf32> to vector<1xf32>
      %squeeze3A_316 = vector.extract %slice3A_315[0] : f32 from vector<1xf32>
      %mul3A_317 = vector.broadcast %squeeze3A_316 : f32 to vector<16xf32>
      %mul3A_318 = arith.mulf %gather3A_309, %mul3A_317 : vector<16xf32>
      %add3A_319 = arith.addf %add3A_306, %mul3A_318 : vector<16xf32>
      %broadcast_in_dim3A_320 = arith.constant 16 : i32
      %broadcast_in_dim3A_321 = vector.broadcast %broadcast_in_dim3A_320 : i32 to vector<16xi32>
      %gather3A_322 = tpu.vector_load_idx %arg7[%add3A_111, %broadcast_in_dim3A_321] : memref<512x64xf32, #tpu.memory_space<vmem>>[vector<16xi32>, vector<16xi32>], vector<16xf32>,
      %slice3A_323 = vector.extract_strided_slice %get3A_85 {offsets = [0], sizes = [1], strides = [1]} : vector<16xf32> to vector<1xf32>
      %squeeze3A_324 = vector.extract %slice3A_323[0] : f32 from vector<1xf32>
      %mul3A_325 = vector.broadcast %squeeze3A_324 : f32 to vector<16xf32>
      %mul3A_326 = arith.mulf %gather3A_322, %mul3A_325 : vector<16xf32>
      %add3A_327 = arith.addf %add3A_314, %mul3A_326 : vector<16xf32>
      %slice3A_328 = vector.extract_strided_slice %get3A_93 {offsets = [0], sizes = [1], strides = [1]} : vector<16xf32> to vector<1xf32>
      %squeeze3A_329 = vector.extract %slice3A_328[0] : f32 from vector<1xf32>
      %mul3A_330 = vector.broadcast %squeeze3A_329 : f32 to vector<16xf32>
      %mul3A_331 = arith.mulf %gather3A_322, %mul3A_330 : vector<16xf32>
      %add3A_332 = arith.addf %add3A_319, %mul3A_331 : vector<16xf32>
      %broadcast_in_dim3A_333 = arith.constant 17 : i32
      %broadcast_in_dim3A_334 = vector.broadcast %broadcast_in_dim3A_333 : i32 to vector<16xi32>
      %gather3A_335 = tpu.vector_load_idx %arg7[%add3A_111, %broadcast_in_dim3A_334] : memref<512x64xf32, #tpu.memory_space<vmem>>[vector<16xi32>, vector<16xi32>], vector<16xf32>,
      %slice3A_336 = vector.extract_strided_slice %get3A_85 {offsets = [1], sizes = [1], strides = [1]} : vector<16xf32> to vector<1xf32>
      %squeeze3A_337 = vector.extract %slice3A_336[0] : f32 from vector<1xf32>
      %mul3A_338 = vector.broadcast %squeeze3A_337 : f32 to vector<16xf32>
      %mul3A_339 = arith.mulf %gather3A_335, %mul3A_338 : vector<16xf32>
      %add3A_340 = arith.addf %add3A_327, %mul3A_339 : vector<16xf32>
      %slice3A_341 = vector.extract_strided_slice %get3A_93 {offsets = [1], sizes = [1], strides = [1]} : vector<16xf32> to vector<1xf32>
      %squeeze3A_342 = vector.extract %slice3A_341[0] : f32 from vector<1xf32>
      %mul3A_343 = vector.broadcast %squeeze3A_342 : f32 to vector<16xf32>
      %mul3A_344 = arith.mulf %gather3A_335, %mul3A_343 : vector<16xf32>
      %add3A_345 = arith.addf %add3A_332, %mul3A_344 : vector<16xf32>
      %broadcast_in_dim3A_346 = arith.constant 18 : i32
      %broadcast_in_dim3A_347 = vector.broadcast %broadcast_in_dim3A_346 : i32 to vector<16xi32>
      %gather3A_348 = tpu.vector_load_idx %arg7[%add3A_111, %broadcast_in_dim3A_347] : memref<512x64xf32, #tpu.memory_space<vmem>>[vector<16xi32>, vector<16xi32>], vector<16xf32>,
      %slice3A_349 = vector.extract_strided_slice %get3A_85 {offsets = [2], sizes = [1], strides = [1]} : vector<16xf32> to vector<1xf32>
      %squeeze3A_350 = vector.extract %slice3A_349[0] : f32 from vector<1xf32>
      %mul3A_351 = vector.broadcast %squeeze3A_350 : f32 to vector<16xf32>
      %mul3A_352 = arith.mulf %gather3A_348, %mul3A_351 : vector<16xf32>
      %add3A_353 = arith.addf %add3A_340, %mul3A_352 : vector<16xf32>
      %slice3A_354 = vector.extract_strided_slice %get3A_93 {offsets = [2], sizes = [1], strides = [1]} : vector<16xf32> to vector<1xf32>
      %squeeze3A_355 = vector.extract %slice3A_354[0] : f32 from vector<1xf32>
      %mul3A_356 = vector.broadcast %squeeze3A_355 : f32 to vector<16xf32>
      %mul3A_357 = arith.mulf %gather3A_348, %mul3A_356 : vector<16xf32>
      %add3A_358 = arith.addf %add3A_345, %mul3A_357 : vector<16xf32>
      %broadcast_in_dim3A_359 = arith.constant 19 : i32
      %broadcast_in_dim3A_360 = vector.broadcast %broadcast_in_dim3A_359 : i32 to vector<16xi32>
      %gather3A_361 = tpu.vector_load_idx %arg7[%add3A_111, %broadcast_in_dim3A_360] : memref<512x64xf32, #tpu.memory_space<vmem>>[vector<16xi32>, vector<16xi32>], vector<16xf32>,
      %slice3A_362 = vector.extract_strided_slice %get3A_85 {offsets = [3], sizes = [1], strides = [1]} : vector<16xf32> to vector<1xf32>
      %squeeze3A_363 = vector.extract %slice3A_362[0] : f32 from vector<1xf32>
      %mul3A_364 = vector.broadcast %squeeze3A_363 : f32 to vector<16xf32>
      %mul3A_365 = arith.mulf %gather3A_361, %mul3A_364 : vector<16xf32>
      %add3A_366 = arith.addf %add3A_353, %mul3A_365 : vector<16xf32>
      %slice3A_367 = vector.extract_strided_slice %get3A_93 {offsets = [3], sizes = [1], strides = [1]} : vector<16xf32> to vector<1xf32>
      %squeeze3A_368 = vector.extract %slice3A_367[0] : f32 from vector<1xf32>
      %mul3A_369 = vector.broadcast %squeeze3A_368 : f32 to vector<16xf32>
      %mul3A_370 = arith.mulf %gather3A_361, %mul3A_369 : vector<16xf32>
      %add3A_371 = arith.addf %add3A_358, %mul3A_370 : vector<16xf32>
      %broadcast_in_dim3A_372 = arith.constant 20 : i32
      %broadcast_in_dim3A_373 = vector.broadcast %broadcast_in_dim3A_372 : i32 to vector<16xi32>
      %gather3A_374 = tpu.vector_load_idx %arg7[%add3A_111, %broadcast_in_dim3A_373] : memref<512x64xf32, #tpu.memory_space<vmem>>[vector<16xi32>, vector<16xi32>], vector<16xf32>,
      %slice3A_375 = vector.extract_strided_slice %get3A_85 {offsets = [4], sizes = [1], strides = [1]} : vector<16xf32> to vector<1xf32>
      %squeeze3A_376 = vector.extract %slice3A_375[0] : f32 from vector<1xf32>
      %mul3A_377 = vector.broadcast %squeeze3A_376 : f32 to vector<16xf32>
      %mul3A_378 = arith.mulf %gather3A_374, %mul3A_377 : vector<16xf32>
      %add3A_379 = arith.addf %add3A_366, %mul3A_378 : vector<16xf32>
      %slice3A_380 = vector.extract_strided_slice %get3A_93 {offsets = [4], sizes = [1], strides = [1]} : vector<16xf32> to vector<1xf32>
      %squeeze3A_381 = vector.extract %slice3A_380[0] : f32 from vector<1xf32>
      %mul3A_382 = vector.broadcast %squeeze3A_381 : f32 to vector<16xf32>
      %mul3A_383 = arith.mulf %gather3A_374, %mul3A_382 : vector<16xf32>
      %add3A_384 = arith.addf %add3A_371, %mul3A_383 : vector<16xf32>
      %broadcast_in_dim3A_385 = arith.constant 21 : i32
      %broadcast_in_dim3A_386 = vector.broadcast %broadcast_in_dim3A_385 : i32 to vector<16xi32>
      %gather3A_387 = tpu.vector_load_idx %arg7[%add3A_111, %broadcast_in_dim3A_386] : memref<512x64xf32, #tpu.memory_space<vmem>>[vector<16xi32>, vector<16xi32>], vector<16xf32>,
      %slice3A_388 = vector.extract_strided_slice %get3A_85 {offsets = [5], sizes = [1], strides = [1]} : vector<16xf32> to vector<1xf32>
      %squeeze3A_389 = vector.extract %slice3A_388[0] : f32 from vector<1xf32>
      %mul3A_390 = vector.broadcast %squeeze3A_389 : f32 to vector<16xf32>
      %mul3A_391 = arith.mulf %gather3A_387, %mul3A_390 : vector<16xf32>
      %add3A_392 = arith.addf %add3A_379, %mul3A_391 : vector<16xf32>
      %slice3A_393 = vector.extract_strided_slice %get3A_93 {offsets = [5], sizes = [1], strides = [1]} : vector<16xf32> to vector<1xf32>
      %squeeze3A_394 = vector.extract %slice3A_393[0] : f32 from vector<1xf32>
      %mul3A_395 = vector.broadcast %squeeze3A_394 : f32 to vector<16xf32>
      %mul3A_396 = arith.mulf %gather3A_387, %mul3A_395 : vector<16xf32>
      %add3A_397 = arith.addf %add3A_384, %mul3A_396 : vector<16xf32>
      %broadcast_in_dim3A_398 = arith.constant 22 : i32
      %broadcast_in_dim3A_399 = vector.broadcast %broadcast_in_dim3A_398 : i32 to vector<16xi32>
      %gather3A_400 = tpu.vector_load_idx %arg7[%add3A_111, %broadcast_in_dim3A_399] : memref<512x64xf32, #tpu.memory_space<vmem>>[vector<16xi32>, vector<16xi32>], vector<16xf32>,
      %slice3A_401 = vector.extract_strided_slice %get3A_85 {offsets = [6], sizes = [1], strides = [1]} : vector<16xf32> to vector<1xf32>
      %squeeze3A_402 = vector.extract %slice3A_401[0] : f32 from vector<1xf32>
      %mul3A_403 = vector.broadcast %squeeze3A_402 : f32 to vector<16xf32>
      %mul3A_404 = arith.mulf %gather3A_400, %mul3A_403 : vector<16xf32>
      %add3A_405 = arith.addf %add3A_392, %mul3A_404 : vector<16xf32>
      %slice3A_406 = vector.extract_strided_slice %get3A_93 {offsets = [6], sizes = [1], strides = [1]} : vector<16xf32> to vector<1xf32>
      %squeeze3A_407 = vector.extract %slice3A_406[0] : f32 from vector<1xf32>
      %mul3A_408 = vector.broadcast %squeeze3A_407 : f32 to vector<16xf32>
      %mul3A_409 = arith.mulf %gather3A_400, %mul3A_408 : vector<16xf32>
      %add3A_410 = arith.addf %add3A_397, %mul3A_409 : vector<16xf32>
      %broadcast_in_dim3A_411 = arith.constant 23 : i32
      %broadcast_in_dim3A_412 = vector.broadcast %broadcast_in_dim3A_411 : i32 to vector<16xi32>
      %gather3A_413 = tpu.vector_load_idx %arg7[%add3A_111, %broadcast_in_dim3A_412] : memref<512x64xf32, #tpu.memory_space<vmem>>[vector<16xi32>, vector<16xi32>], vector<16xf32>,
      %slice3A_414 = vector.extract_strided_slice %get3A_85 {offsets = [7], sizes = [1], strides = [1]} : vector<16xf32> to vector<1xf32>
      %squeeze3A_415 = vector.extract %slice3A_414[0] : f32 from vector<1xf32>
      %mul3A_416 = vector.broadcast %squeeze3A_415 : f32 to vector<16xf32>
      %mul3A_417 = arith.mulf %gather3A_413, %mul3A_416 : vector<16xf32>
      %add3A_418 = arith.addf %add3A_405, %mul3A_417 : vector<16xf32>
      %slice3A_419 = vector.extract_strided_slice %get3A_93 {offsets = [7], sizes = [1], strides = [1]} : vector<16xf32> to vector<1xf32>
      %squeeze3A_420 = vector.extract %slice3A_419[0] : f32 from vector<1xf32>
      %mul3A_421 = vector.broadcast %squeeze3A_420 : f32 to vector<16xf32>
      %mul3A_422 = arith.mulf %gather3A_413, %mul3A_421 : vector<16xf32>
      %add3A_423 = arith.addf %add3A_410, %mul3A_422 : vector<16xf32>
      %broadcast_in_dim3A_424 = arith.constant 24 : i32
      %broadcast_in_dim3A_425 = vector.broadcast %broadcast_in_dim3A_424 : i32 to vector<16xi32>
      %gather3A_426 = tpu.vector_load_idx %arg7[%add3A_111, %broadcast_in_dim3A_425] : memref<512x64xf32, #tpu.memory_space<vmem>>[vector<16xi32>, vector<16xi32>], vector<16xf32>,
      %slice3A_427 = vector.extract_strided_slice %get3A_85 {offsets = [8], sizes = [1], strides = [1]} : vector<16xf32> to vector<1xf32>
      %squeeze3A_428 = vector.extract %slice3A_427[0] : f32 from vector<1xf32>
      %mul3A_429 = vector.broadcast %squeeze3A_428 : f32 to vector<16xf32>
      %mul3A_430 = arith.mulf %gather3A_426, %mul3A_429 : vector<16xf32>
      %add3A_431 = arith.addf %add3A_418, %mul3A_430 : vector<16xf32>
      %slice3A_432 = vector.extract_strided_slice %get3A_93 {offsets = [8], sizes = [1], strides = [1]} : vector<16xf32> to vector<1xf32>
      %squeeze3A_433 = vector.extract %slice3A_432[0] : f32 from vector<1xf32>
      %mul3A_434 = vector.broadcast %squeeze3A_433 : f32 to vector<16xf32>
      %mul3A_435 = arith.mulf %gather3A_426, %mul3A_434 : vector<16xf32>
      %add3A_436 = arith.addf %add3A_423, %mul3A_435 : vector<16xf32>
      %broadcast_in_dim3A_437 = arith.constant 25 : i32
      %broadcast_in_dim3A_438 = vector.broadcast %broadcast_in_dim3A_437 : i32 to vector<16xi32>
      %gather3A_439 = tpu.vector_load_idx %arg7[%add3A_111, %broadcast_in_dim3A_438] : memref<512x64xf32, #tpu.memory_space<vmem>>[vector<16xi32>, vector<16xi32>], vector<16xf32>,
      %slice3A_440 = vector.extract_strided_slice %get3A_85 {offsets = [9], sizes = [1], strides = [1]} : vector<16xf32> to vector<1xf32>
      %squeeze3A_441 = vector.extract %slice3A_440[0] : f32 from vector<1xf32>
      %mul3A_442 = vector.broadcast %squeeze3A_441 : f32 to vector<16xf32>
      %mul3A_443 = arith.mulf %gather3A_439, %mul3A_442 : vector<16xf32>
      %add3A_444 = arith.addf %add3A_431, %mul3A_443 : vector<16xf32>
      %slice3A_445 = vector.extract_strided_slice %get3A_93 {offsets = [9], sizes = [1], strides = [1]} : vector<16xf32> to vector<1xf32>
      %squeeze3A_446 = vector.extract %slice3A_445[0] : f32 from vector<1xf32>
      %mul3A_447 = vector.broadcast %squeeze3A_446 : f32 to vector<16xf32>
      %mul3A_448 = arith.mulf %gather3A_439, %mul3A_447 : vector<16xf32>
      %add3A_449 = arith.addf %add3A_436, %mul3A_448 : vector<16xf32>
      %broadcast_in_dim3A_450 = arith.constant 26 : i32
      %broadcast_in_dim3A_451 = vector.broadcast %broadcast_in_dim3A_450 : i32 to vector<16xi32>
      %gather3A_452 = tpu.vector_load_idx %arg7[%add3A_111, %broadcast_in_dim3A_451] : memref<512x64xf32, #tpu.memory_space<vmem>>[vector<16xi32>, vector<16xi32>], vector<16xf32>,
      %slice3A_453 = vector.extract_strided_slice %get3A_85 {offsets = [10], sizes = [1], strides = [1]} : vector<16xf32> to vector<1xf32>
      %squeeze3A_454 = vector.extract %slice3A_453[0] : f32 from vector<1xf32>
      %mul3A_455 = vector.broadcast %squeeze3A_454 : f32 to vector<16xf32>
      %mul3A_456 = arith.mulf %gather3A_452, %mul3A_455 : vector<16xf32>
      %add3A_457 = arith.addf %add3A_444, %mul3A_456 : vector<16xf32>
      %slice3A_458 = vector.extract_strided_slice %get3A_93 {offsets = [10], sizes = [1], strides = [1]} : vector<16xf32> to vector<1xf32>
      %squeeze3A_459 = vector.extract %slice3A_458[0] : f32 from vector<1xf32>
      %mul3A_460 = vector.broadcast %squeeze3A_459 : f32 to vector<16xf32>
      %mul3A_461 = arith.mulf %gather3A_452, %mul3A_460 : vector<16xf32>
      %add3A_462 = arith.addf %add3A_449, %mul3A_461 : vector<16xf32>
      %broadcast_in_dim3A_463 = arith.constant 27 : i32
      %broadcast_in_dim3A_464 = vector.broadcast %broadcast_in_dim3A_463 : i32 to vector<16xi32>
      %gather3A_465 = tpu.vector_load_idx %arg7[%add3A_111, %broadcast_in_dim3A_464] : memref<512x64xf32, #tpu.memory_space<vmem>>[vector<16xi32>, vector<16xi32>], vector<16xf32>,
      %slice3A_466 = vector.extract_strided_slice %get3A_85 {offsets = [11], sizes = [1], strides = [1]} : vector<16xf32> to vector<1xf32>
      %squeeze3A_467 = vector.extract %slice3A_466[0] : f32 from vector<1xf32>
      %mul3A_468 = vector.broadcast %squeeze3A_467 : f32 to vector<16xf32>
      %mul3A_469 = arith.mulf %gather3A_465, %mul3A_468 : vector<16xf32>
      %add3A_470 = arith.addf %add3A_457, %mul3A_469 : vector<16xf32>
      %slice3A_471 = vector.extract_strided_slice %get3A_93 {offsets = [11], sizes = [1], strides = [1]} : vector<16xf32> to vector<1xf32>
      %squeeze3A_472 = vector.extract %slice3A_471[0] : f32 from vector<1xf32>
      %mul3A_473 = vector.broadcast %squeeze3A_472 : f32 to vector<16xf32>
      %mul3A_474 = arith.mulf %gather3A_465, %mul3A_473 : vector<16xf32>
      %add3A_475 = arith.addf %add3A_462, %mul3A_474 : vector<16xf32>
      %broadcast_in_dim3A_476 = arith.constant 28 : i32
      %broadcast_in_dim3A_477 = vector.broadcast %broadcast_in_dim3A_476 : i32 to vector<16xi32>
      %gather3A_478 = tpu.vector_load_idx %arg7[%add3A_111, %broadcast_in_dim3A_477] : memref<512x64xf32, #tpu.memory_space<vmem>>[vector<16xi32>, vector<16xi32>], vector<16xf32>,
      %slice3A_479 = vector.extract_strided_slice %get3A_85 {offsets = [12], sizes = [1], strides = [1]} : vector<16xf32> to vector<1xf32>
      %squeeze3A_480 = vector.extract %slice3A_479[0] : f32 from vector<1xf32>
      %mul3A_481 = vector.broadcast %squeeze3A_480 : f32 to vector<16xf32>
      %mul3A_482 = arith.mulf %gather3A_478, %mul3A_481 : vector<16xf32>
      %add3A_483 = arith.addf %add3A_470, %mul3A_482 : vector<16xf32>
      %slice3A_484 = vector.extract_strided_slice %get3A_93 {offsets = [12], sizes = [1], strides = [1]} : vector<16xf32> to vector<1xf32>
      %squeeze3A_485 = vector.extract %slice3A_484[0] : f32 from vector<1xf32>
      %mul3A_486 = vector.broadcast %squeeze3A_485 : f32 to vector<16xf32>
      %mul3A_487 = arith.mulf %gather3A_478, %mul3A_486 : vector<16xf32>
      %add3A_488 = arith.addf %add3A_475, %mul3A_487 : vector<16xf32>
      %broadcast_in_dim3A_489 = arith.constant 29 : i32
      %broadcast_in_dim3A_490 = vector.broadcast %broadcast_in_dim3A_489 : i32 to vector<16xi32>
      %gather3A_491 = tpu.vector_load_idx %arg7[%add3A_111, %broadcast_in_dim3A_490] : memref<512x64xf32, #tpu.memory_space<vmem>>[vector<16xi32>, vector<16xi32>], vector<16xf32>,
      %slice3A_492 = vector.extract_strided_slice %get3A_85 {offsets = [13], sizes = [1], strides = [1]} : vector<16xf32> to vector<1xf32>
      %squeeze3A_493 = vector.extract %slice3A_492[0] : f32 from vector<1xf32>
      %mul3A_494 = vector.broadcast %squeeze3A_493 : f32 to vector<16xf32>
      %mul3A_495 = arith.mulf %gather3A_491, %mul3A_494 : vector<16xf32>
      %add3A_496 = arith.addf %add3A_483, %mul3A_495 : vector<16xf32>
      %slice3A_497 = vector.extract_strided_slice %get3A_93 {offsets = [13], sizes = [1], strides = [1]} : vector<16xf32> to vector<1xf32>
      %squeeze3A_498 = vector.extract %slice3A_497[0] : f32 from vector<1xf32>
      %mul3A_499 = vector.broadcast %squeeze3A_498 : f32 to vector<16xf32>
      %mul3A_500 = arith.mulf %gather3A_491, %mul3A_499 : vector<16xf32>
      %add3A_501 = arith.addf %add3A_488, %mul3A_500 : vector<16xf32>
      %broadcast_in_dim3A_502 = arith.constant 30 : i32
      %broadcast_in_dim3A_503 = vector.broadcast %broadcast_in_dim3A_502 : i32 to vector<16xi32>
      %gather3A_504 = tpu.vector_load_idx %arg7[%add3A_111, %broadcast_in_dim3A_503] : memref<512x64xf32, #tpu.memory_space<vmem>>[vector<16xi32>, vector<16xi32>], vector<16xf32>,
      %slice3A_505 = vector.extract_strided_slice %get3A_85 {offsets = [14], sizes = [1], strides = [1]} : vector<16xf32> to vector<1xf32>
      %squeeze3A_506 = vector.extract %slice3A_505[0] : f32 from vector<1xf32>
      %mul3A_507 = vector.broadcast %squeeze3A_506 : f32 to vector<16xf32>
      %mul3A_508 = arith.mulf %gather3A_504, %mul3A_507 : vector<16xf32>
      %add3A_509 = arith.addf %add3A_496, %mul3A_508 : vector<16xf32>
      %slice3A_510 = vector.extract_strided_slice %get3A_93 {offsets = [14], sizes = [1], strides = [1]} : vector<16xf32> to vector<1xf32>
      %squeeze3A_511 = vector.extract %slice3A_510[0] : f32 from vector<1xf32>
      %mul3A_512 = vector.broadcast %squeeze3A_511 : f32 to vector<16xf32>
      %mul3A_513 = arith.mulf %gather3A_504, %mul3A_512 : vector<16xf32>
      %add3A_514 = arith.addf %add3A_501, %mul3A_513 : vector<16xf32>
      %broadcast_in_dim3A_515 = arith.constant 31 : i32
      %broadcast_in_dim3A_516 = vector.broadcast %broadcast_in_dim3A_515 : i32 to vector<16xi32>
      %gather3A_517 = tpu.vector_load_idx %arg7[%add3A_111, %broadcast_in_dim3A_516] : memref<512x64xf32, #tpu.memory_space<vmem>>[vector<16xi32>, vector<16xi32>], vector<16xf32>,
      %slice3A_518 = vector.extract_strided_slice %get3A_85 {offsets = [15], sizes = [1], strides = [1]} : vector<16xf32> to vector<1xf32>
      %squeeze3A_519 = vector.extract %slice3A_518[0] : f32 from vector<1xf32>
      %mul3A_520 = vector.broadcast %squeeze3A_519 : f32 to vector<16xf32>
      %mul3A_521 = arith.mulf %gather3A_517, %mul3A_520 : vector<16xf32>
      %add3A_522 = arith.addf %add3A_509, %mul3A_521 : vector<16xf32>
      %slice3A_523 = vector.extract_strided_slice %get3A_93 {offsets = [15], sizes = [1], strides = [1]} : vector<16xf32> to vector<1xf32>
      %squeeze3A_524 = vector.extract %slice3A_523[0] : f32 from vector<1xf32>
      %mul3A_525 = vector.broadcast %squeeze3A_524 : f32 to vector<16xf32>
      %mul3A_526 = arith.mulf %gather3A_517, %mul3A_525 : vector<16xf32>
      %add3A_527 = arith.addf %add3A_514, %mul3A_526 : vector<16xf32>
      %broadcast_in_dim3A_528 = arith.constant 32 : i32
      %broadcast_in_dim3A_529 = vector.broadcast %broadcast_in_dim3A_528 : i32 to vector<16xi32>
      %gather3A_530 = tpu.vector_load_idx %arg7[%add3A_111, %broadcast_in_dim3A_529] : memref<512x64xf32, #tpu.memory_space<vmem>>[vector<16xi32>, vector<16xi32>], vector<16xf32>,
      %slice3A_531 = vector.extract_strided_slice %get3A_87 {offsets = [0], sizes = [1], strides = [1]} : vector<16xf32> to vector<1xf32>
      %squeeze3A_532 = vector.extract %slice3A_531[0] : f32 from vector<1xf32>
      %mul3A_533 = vector.broadcast %squeeze3A_532 : f32 to vector<16xf32>
      %mul3A_534 = arith.mulf %gather3A_530, %mul3A_533 : vector<16xf32>
      %add3A_535 = arith.addf %add3A_522, %mul3A_534 : vector<16xf32>
      %slice3A_536 = vector.extract_strided_slice %get3A_95 {offsets = [0], sizes = [1], strides = [1]} : vector<16xf32> to vector<1xf32>
      %squeeze3A_537 = vector.extract %slice3A_536[0] : f32 from vector<1xf32>
      %mul3A_538 = vector.broadcast %squeeze3A_537 : f32 to vector<16xf32>
      %mul3A_539 = arith.mulf %gather3A_530, %mul3A_538 : vector<16xf32>
      %add3A_540 = arith.addf %add3A_527, %mul3A_539 : vector<16xf32>
      %broadcast_in_dim3A_541 = arith.constant 33 : i32
      %broadcast_in_dim3A_542 = vector.broadcast %broadcast_in_dim3A_541 : i32 to vector<16xi32>
      %gather3A_543 = tpu.vector_load_idx %arg7[%add3A_111, %broadcast_in_dim3A_542] : memref<512x64xf32, #tpu.memory_space<vmem>>[vector<16xi32>, vector<16xi32>], vector<16xf32>,
      %slice3A_544 = vector.extract_strided_slice %get3A_87 {offsets = [1], sizes = [1], strides = [1]} : vector<16xf32> to vector<1xf32>
      %squeeze3A_545 = vector.extract %slice3A_544[0] : f32 from vector<1xf32>
      %mul3A_546 = vector.broadcast %squeeze3A_545 : f32 to vector<16xf32>
      %mul3A_547 = arith.mulf %gather3A_543, %mul3A_546 : vector<16xf32>
      %add3A_548 = arith.addf %add3A_535, %mul3A_547 : vector<16xf32>
      %slice3A_549 = vector.extract_strided_slice %get3A_95 {offsets = [1], sizes = [1], strides = [1]} : vector<16xf32> to vector<1xf32>
      %squeeze3A_550 = vector.extract %slice3A_549[0] : f32 from vector<1xf32>
      %mul3A_551 = vector.broadcast %squeeze3A_550 : f32 to vector<16xf32>
      %mul3A_552 = arith.mulf %gather3A_543, %mul3A_551 : vector<16xf32>
      %add3A_553 = arith.addf %add3A_540, %mul3A_552 : vector<16xf32>
      %broadcast_in_dim3A_554 = arith.constant 34 : i32
      %broadcast_in_dim3A_555 = vector.broadcast %broadcast_in_dim3A_554 : i32 to vector<16xi32>
      %gather3A_556 = tpu.vector_load_idx %arg7[%add3A_111, %broadcast_in_dim3A_555] : memref<512x64xf32, #tpu.memory_space<vmem>>[vector<16xi32>, vector<16xi32>], vector<16xf32>,
      %slice3A_557 = vector.extract_strided_slice %get3A_87 {offsets = [2], sizes = [1], strides = [1]} : vector<16xf32> to vector<1xf32>
      %squeeze3A_558 = vector.extract %slice3A_557[0] : f32 from vector<1xf32>
      %mul3A_559 = vector.broadcast %squeeze3A_558 : f32 to vector<16xf32>
      %mul3A_560 = arith.mulf %gather3A_556, %mul3A_559 : vector<16xf32>
      %add3A_561 = arith.addf %add3A_548, %mul3A_560 : vector<16xf32>
      %slice3A_562 = vector.extract_strided_slice %get3A_95 {offsets = [2], sizes = [1], strides = [1]} : vector<16xf32> to vector<1xf32>
      %squeeze3A_563 = vector.extract %slice3A_562[0] : f32 from vector<1xf32>
      %mul3A_564 = vector.broadcast %squeeze3A_563 : f32 to vector<16xf32>
      %mul3A_565 = arith.mulf %gather3A_556, %mul3A_564 : vector<16xf32>
      %add3A_566 = arith.addf %add3A_553, %mul3A_565 : vector<16xf32>
      %broadcast_in_dim3A_567 = arith.constant 35 : i32
      %broadcast_in_dim3A_568 = vector.broadcast %broadcast_in_dim3A_567 : i32 to vector<16xi32>
      %gather3A_569 = tpu.vector_load_idx %arg7[%add3A_111, %broadcast_in_dim3A_568] : memref<512x64xf32, #tpu.memory_space<vmem>>[vector<16xi32>, vector<16xi32>], vector<16xf32>,
      %slice3A_570 = vector.extract_strided_slice %get3A_87 {offsets = [3], sizes = [1], strides = [1]} : vector<16xf32> to vector<1xf32>
      %squeeze3A_571 = vector.extract %slice3A_570[0] : f32 from vector<1xf32>
      %mul3A_572 = vector.broadcast %squeeze3A_571 : f32 to vector<16xf32>
      %mul3A_573 = arith.mulf %gather3A_569, %mul3A_572 : vector<16xf32>
      %add3A_574 = arith.addf %add3A_561, %mul3A_573 : vector<16xf32>
      %slice3A_575 = vector.extract_strided_slice %get3A_95 {offsets = [3], sizes = [1], strides = [1]} : vector<16xf32> to vector<1xf32>
      %squeeze3A_576 = vector.extract %slice3A_575[0] : f32 from vector<1xf32>
      %mul3A_577 = vector.broadcast %squeeze3A_576 : f32 to vector<16xf32>
      %mul3A_578 = arith.mulf %gather3A_569, %mul3A_577 : vector<16xf32>
      %add3A_579 = arith.addf %add3A_566, %mul3A_578 : vector<16xf32>
      %broadcast_in_dim3A_580 = arith.constant 36 : i32
      %broadcast_in_dim3A_581 = vector.broadcast %broadcast_in_dim3A_580 : i32 to vector<16xi32>
      %gather3A_582 = tpu.vector_load_idx %arg7[%add3A_111, %broadcast_in_dim3A_581] : memref<512x64xf32, #tpu.memory_space<vmem>>[vector<16xi32>, vector<16xi32>], vector<16xf32>,
      %slice3A_583 = vector.extract_strided_slice %get3A_87 {offsets = [4], sizes = [1], strides = [1]} : vector<16xf32> to vector<1xf32>
      %squeeze3A_584 = vector.extract %slice3A_583[0] : f32 from vector<1xf32>
      %mul3A_585 = vector.broadcast %squeeze3A_584 : f32 to vector<16xf32>
      %mul3A_586 = arith.mulf %gather3A_582, %mul3A_585 : vector<16xf32>
      %add3A_587 = arith.addf %add3A_574, %mul3A_586 : vector<16xf32>
      %slice3A_588 = vector.extract_strided_slice %get3A_95 {offsets = [4], sizes = [1], strides = [1]} : vector<16xf32> to vector<1xf32>
      %squeeze3A_589 = vector.extract %slice3A_588[0] : f32 from vector<1xf32>
      %mul3A_590 = vector.broadcast %squeeze3A_589 : f32 to vector<16xf32>
      %mul3A_591 = arith.mulf %gather3A_582, %mul3A_590 : vector<16xf32>
      %add3A_592 = arith.addf %add3A_579, %mul3A_591 : vector<16xf32>
      %broadcast_in_dim3A_593 = arith.constant 37 : i32
      %broadcast_in_dim3A_594 = vector.broadcast %broadcast_in_dim3A_593 : i32 to vector<16xi32>
      %gather3A_595 = tpu.vector_load_idx %arg7[%add3A_111, %broadcast_in_dim3A_594] : memref<512x64xf32, #tpu.memory_space<vmem>>[vector<16xi32>, vector<16xi32>], vector<16xf32>,
      %slice3A_596 = vector.extract_strided_slice %get3A_87 {offsets = [5], sizes = [1], strides = [1]} : vector<16xf32> to vector<1xf32>
      %squeeze3A_597 = vector.extract %slice3A_596[0] : f32 from vector<1xf32>
      %mul3A_598 = vector.broadcast %squeeze3A_597 : f32 to vector<16xf32>
      %mul3A_599 = arith.mulf %gather3A_595, %mul3A_598 : vector<16xf32>
      %add3A_600 = arith.addf %add3A_587, %mul3A_599 : vector<16xf32>
      %slice3A_601 = vector.extract_strided_slice %get3A_95 {offsets = [5], sizes = [1], strides = [1]} : vector<16xf32> to vector<1xf32>
      %squeeze3A_602 = vector.extract %slice3A_601[0] : f32 from vector<1xf32>
      %mul3A_603 = vector.broadcast %squeeze3A_602 : f32 to vector<16xf32>
      %mul3A_604 = arith.mulf %gather3A_595, %mul3A_603 : vector<16xf32>
      %add3A_605 = arith.addf %add3A_592, %mul3A_604 : vector<16xf32>
      %broadcast_in_dim3A_606 = arith.constant 38 : i32
      %broadcast_in_dim3A_607 = vector.broadcast %broadcast_in_dim3A_606 : i32 to vector<16xi32>
      %gather3A_608 = tpu.vector_load_idx %arg7[%add3A_111, %broadcast_in_dim3A_607] : memref<512x64xf32, #tpu.memory_space<vmem>>[vector<16xi32>, vector<16xi32>], vector<16xf32>,
      %slice3A_609 = vector.extract_strided_slice %get3A_87 {offsets = [6], sizes = [1], strides = [1]} : vector<16xf32> to vector<1xf32>
      %squeeze3A_610 = vector.extract %slice3A_609[0] : f32 from vector<1xf32>
      %mul3A_611 = vector.broadcast %squeeze3A_610 : f32 to vector<16xf32>
      %mul3A_612 = arith.mulf %gather3A_608, %mul3A_611 : vector<16xf32>
      %add3A_613 = arith.addf %add3A_600, %mul3A_612 : vector<16xf32>
      %slice3A_614 = vector.extract_strided_slice %get3A_95 {offsets = [6], sizes = [1], strides = [1]} : vector<16xf32> to vector<1xf32>
      %squeeze3A_615 = vector.extract %slice3A_614[0] : f32 from vector<1xf32>
      %mul3A_616 = vector.broadcast %squeeze3A_615 : f32 to vector<16xf32>
      %mul3A_617 = arith.mulf %gather3A_608, %mul3A_616 : vector<16xf32>
      %add3A_618 = arith.addf %add3A_605, %mul3A_617 : vector<16xf32>
      %broadcast_in_dim3A_619 = arith.constant 39 : i32
      %broadcast_in_dim3A_620 = vector.broadcast %broadcast_in_dim3A_619 : i32 to vector<16xi32>
      %gather3A_621 = tpu.vector_load_idx %arg7[%add3A_111, %broadcast_in_dim3A_620] : memref<512x64xf32, #tpu.memory_space<vmem>>[vector<16xi32>, vector<16xi32>], vector<16xf32>,
      %slice3A_622 = vector.extract_strided_slice %get3A_87 {offsets = [7], sizes = [1], strides = [1]} : vector<16xf32> to vector<1xf32>
      %squeeze3A_623 = vector.extract %slice3A_622[0] : f32 from vector<1xf32>
      %mul3A_624 = vector.broadcast %squeeze3A_623 : f32 to vector<16xf32>
      %mul3A_625 = arith.mulf %gather3A_621, %mul3A_624 : vector<16xf32>
      %add3A_626 = arith.addf %add3A_613, %mul3A_625 : vector<16xf32>
      %slice3A_627 = vector.extract_strided_slice %get3A_95 {offsets = [7], sizes = [1], strides = [1]} : vector<16xf32> to vector<1xf32>
      %squeeze3A_628 = vector.extract %slice3A_627[0] : f32 from vector<1xf32>
      %mul3A_629 = vector.broadcast %squeeze3A_628 : f32 to vector<16xf32>
      %mul3A_630 = arith.mulf %gather3A_621, %mul3A_629 : vector<16xf32>
      %add3A_631 = arith.addf %add3A_618, %mul3A_630 : vector<16xf32>
      %broadcast_in_dim3A_632 = arith.constant 40 : i32
      %broadcast_in_dim3A_633 = vector.broadcast %broadcast_in_dim3A_632 : i32 to vector<16xi32>
      %gather3A_634 = tpu.vector_load_idx %arg7[%add3A_111, %broadcast_in_dim3A_633] : memref<512x64xf32, #tpu.memory_space<vmem>>[vector<16xi32>, vector<16xi32>], vector<16xf32>,
      %slice3A_635 = vector.extract_strided_slice %get3A_87 {offsets = [8], sizes = [1], strides = [1]} : vector<16xf32> to vector<1xf32>
      %squeeze3A_636 = vector.extract %slice3A_635[0] : f32 from vector<1xf32>
      %mul3A_637 = vector.broadcast %squeeze3A_636 : f32 to vector<16xf32>
      %mul3A_638 = arith.mulf %gather3A_634, %mul3A_637 : vector<16xf32>
      %add3A_639 = arith.addf %add3A_626, %mul3A_638 : vector<16xf32>
      %slice3A_640 = vector.extract_strided_slice %get3A_95 {offsets = [8], sizes = [1], strides = [1]} : vector<16xf32> to vector<1xf32>
      %squeeze3A_641 = vector.extract %slice3A_640[0] : f32 from vector<1xf32>
      %mul3A_642 = vector.broadcast %squeeze3A_641 : f32 to vector<16xf32>
      %mul3A_643 = arith.mulf %gather3A_634, %mul3A_642 : vector<16xf32>
      %add3A_644 = arith.addf %add3A_631, %mul3A_643 : vector<16xf32>
      %broadcast_in_dim3A_645 = arith.constant 41 : i32
      %broadcast_in_dim3A_646 = vector.broadcast %broadcast_in_dim3A_645 : i32 to vector<16xi32>
      %gather3A_647 = tpu.vector_load_idx %arg7[%add3A_111, %broadcast_in_dim3A_646] : memref<512x64xf32, #tpu.memory_space<vmem>>[vector<16xi32>, vector<16xi32>], vector<16xf32>,
      %slice3A_648 = vector.extract_strided_slice %get3A_87 {offsets = [9], sizes = [1], strides = [1]} : vector<16xf32> to vector<1xf32>
      %squeeze3A_649 = vector.extract %slice3A_648[0] : f32 from vector<1xf32>
      %mul3A_650 = vector.broadcast %squeeze3A_649 : f32 to vector<16xf32>
      %mul3A_651 = arith.mulf %gather3A_647, %mul3A_650 : vector<16xf32>
      %add3A_652 = arith.addf %add3A_639, %mul3A_651 : vector<16xf32>
      %slice3A_653 = vector.extract_strided_slice %get3A_95 {offsets = [9], sizes = [1], strides = [1]} : vector<16xf32> to vector<1xf32>
      %squeeze3A_654 = vector.extract %slice3A_653[0] : f32 from vector<1xf32>
      %mul3A_655 = vector.broadcast %squeeze3A_654 : f32 to vector<16xf32>
      %mul3A_656 = arith.mulf %gather3A_647, %mul3A_655 : vector<16xf32>
      %add3A_657 = arith.addf %add3A_644, %mul3A_656 : vector<16xf32>
      %broadcast_in_dim3A_658 = arith.constant 42 : i32
      %broadcast_in_dim3A_659 = vector.broadcast %broadcast_in_dim3A_658 : i32 to vector<16xi32>
      %gather3A_660 = tpu.vector_load_idx %arg7[%add3A_111, %broadcast_in_dim3A_659] : memref<512x64xf32, #tpu.memory_space<vmem>>[vector<16xi32>, vector<16xi32>], vector<16xf32>,
      %slice3A_661 = vector.extract_strided_slice %get3A_87 {offsets = [10], sizes = [1], strides = [1]} : vector<16xf32> to vector<1xf32>
      %squeeze3A_662 = vector.extract %slice3A_661[0] : f32 from vector<1xf32>
      %mul3A_663 = vector.broadcast %squeeze3A_662 : f32 to vector<16xf32>
      %mul3A_664 = arith.mulf %gather3A_660, %mul3A_663 : vector<16xf32>
      %add3A_665 = arith.addf %add3A_652, %mul3A_664 : vector<16xf32>
      %slice3A_666 = vector.extract_strided_slice %get3A_95 {offsets = [10], sizes = [1], strides = [1]} : vector<16xf32> to vector<1xf32>
      %squeeze3A_667 = vector.extract %slice3A_666[0] : f32 from vector<1xf32>
      %mul3A_668 = vector.broadcast %squeeze3A_667 : f32 to vector<16xf32>
      %mul3A_669 = arith.mulf %gather3A_660, %mul3A_668 : vector<16xf32>
      %add3A_670 = arith.addf %add3A_657, %mul3A_669 : vector<16xf32>
      %broadcast_in_dim3A_671 = arith.constant 43 : i32
      %broadcast_in_dim3A_672 = vector.broadcast %broadcast_in_dim3A_671 : i32 to vector<16xi32>
      %gather3A_673 = tpu.vector_load_idx %arg7[%add3A_111, %broadcast_in_dim3A_672] : memref<512x64xf32, #tpu.memory_space<vmem>>[vector<16xi32>, vector<16xi32>], vector<16xf32>,
      %slice3A_674 = vector.extract_strided_slice %get3A_87 {offsets = [11], sizes = [1], strides = [1]} : vector<16xf32> to vector<1xf32>
      %squeeze3A_675 = vector.extract %slice3A_674[0] : f32 from vector<1xf32>
      %mul3A_676 = vector.broadcast %squeeze3A_675 : f32 to vector<16xf32>
      %mul3A_677 = arith.mulf %gather3A_673, %mul3A_676 : vector<16xf32>
      %add3A_678 = arith.addf %add3A_665, %mul3A_677 : vector<16xf32>
      %slice3A_679 = vector.extract_strided_slice %get3A_95 {offsets = [11], sizes = [1], strides = [1]} : vector<16xf32> to vector<1xf32>
      %squeeze3A_680 = vector.extract %slice3A_679[0] : f32 from vector<1xf32>
      %mul3A_681 = vector.broadcast %squeeze3A_680 : f32 to vector<16xf32>
      %mul3A_682 = arith.mulf %gather3A_673, %mul3A_681 : vector<16xf32>
      %add3A_683 = arith.addf %add3A_670, %mul3A_682 : vector<16xf32>
      %broadcast_in_dim3A_684 = arith.constant 44 : i32
      %broadcast_in_dim3A_685 = vector.broadcast %broadcast_in_dim3A_684 : i32 to vector<16xi32>
      %gather3A_686 = tpu.vector_load_idx %arg7[%add3A_111, %broadcast_in_dim3A_685] : memref<512x64xf32, #tpu.memory_space<vmem>>[vector<16xi32>, vector<16xi32>], vector<16xf32>,
      %slice3A_687 = vector.extract_strided_slice %get3A_87 {offsets = [12], sizes = [1], strides = [1]} : vector<16xf32> to vector<1xf32>
      %squeeze3A_688 = vector.extract %slice3A_687[0] : f32 from vector<1xf32>
      %mul3A_689 = vector.broadcast %squeeze3A_688 : f32 to vector<16xf32>
      %mul3A_690 = arith.mulf %gather3A_686, %mul3A_689 : vector<16xf32>
      %add3A_691 = arith.addf %add3A_678, %mul3A_690 : vector<16xf32>
      %slice3A_692 = vector.extract_strided_slice %get3A_95 {offsets = [12], sizes = [1], strides = [1]} : vector<16xf32> to vector<1xf32>
      %squeeze3A_693 = vector.extract %slice3A_692[0] : f32 from vector<1xf32>
      %mul3A_694 = vector.broadcast %squeeze3A_693 : f32 to vector<16xf32>
      %mul3A_695 = arith.mulf %gather3A_686, %mul3A_694 : vector<16xf32>
      %add3A_696 = arith.addf %add3A_683, %mul3A_695 : vector<16xf32>
      %broadcast_in_dim3A_697 = arith.constant 45 : i32
      %broadcast_in_dim3A_698 = vector.broadcast %broadcast_in_dim3A_697 : i32 to vector<16xi32>
      %gather3A_699 = tpu.vector_load_idx %arg7[%add3A_111, %broadcast_in_dim3A_698] : memref<512x64xf32, #tpu.memory_space<vmem>>[vector<16xi32>, vector<16xi32>], vector<16xf32>,
      %slice3A_700 = vector.extract_strided_slice %get3A_87 {offsets = [13], sizes = [1], strides = [1]} : vector<16xf32> to vector<1xf32>
      %squeeze3A_701 = vector.extract %slice3A_700[0] : f32 from vector<1xf32>
      %mul3A_702 = vector.broadcast %squeeze3A_701 : f32 to vector<16xf32>
      %mul3A_703 = arith.mulf %gather3A_699, %mul3A_702 : vector<16xf32>
      %add3A_704 = arith.addf %add3A_691, %mul3A_703 : vector<16xf32>
      %slice3A_705 = vector.extract_strided_slice %get3A_95 {offsets = [13], sizes = [1], strides = [1]} : vector<16xf32> to vector<1xf32>
      %squeeze3A_706 = vector.extract %slice3A_705[0] : f32 from vector<1xf32>
      %mul3A_707 = vector.broadcast %squeeze3A_706 : f32 to vector<16xf32>
      %mul3A_708 = arith.mulf %gather3A_699, %mul3A_707 : vector<16xf32>
      %add3A_709 = arith.addf %add3A_696, %mul3A_708 : vector<16xf32>
      %broadcast_in_dim3A_710 = arith.constant 46 : i32
      %broadcast_in_dim3A_711 = vector.broadcast %broadcast_in_dim3A_710 : i32 to vector<16xi32>
      %gather3A_712 = tpu.vector_load_idx %arg7[%add3A_111, %broadcast_in_dim3A_711] : memref<512x64xf32, #tpu.memory_space<vmem>>[vector<16xi32>, vector<16xi32>], vector<16xf32>,
      %slice3A_713 = vector.extract_strided_slice %get3A_87 {offsets = [14], sizes = [1], strides = [1]} : vector<16xf32> to vector<1xf32>
      %squeeze3A_714 = vector.extract %slice3A_713[0] : f32 from vector<1xf32>
      %mul3A_715 = vector.broadcast %squeeze3A_714 : f32 to vector<16xf32>
      %mul3A_716 = arith.mulf %gather3A_712, %mul3A_715 : vector<16xf32>
      %add3A_717 = arith.addf %add3A_704, %mul3A_716 : vector<16xf32>
      %slice3A_718 = vector.extract_strided_slice %get3A_95 {offsets = [14], sizes = [1], strides = [1]} : vector<16xf32> to vector<1xf32>
      %squeeze3A_719 = vector.extract %slice3A_718[0] : f32 from vector<1xf32>
      %mul3A_720 = vector.broadcast %squeeze3A_719 : f32 to vector<16xf32>
      %mul3A_721 = arith.mulf %gather3A_712, %mul3A_720 : vector<16xf32>
      %add3A_722 = arith.addf %add3A_709, %mul3A_721 : vector<16xf32>
      %broadcast_in_dim3A_723 = arith.constant 47 : i32
      %broadcast_in_dim3A_724 = vector.broadcast %broadcast_in_dim3A_723 : i32 to vector<16xi32>
      %gather3A_725 = tpu.vector_load_idx %arg7[%add3A_111, %broadcast_in_dim3A_724] : memref<512x64xf32, #tpu.memory_space<vmem>>[vector<16xi32>, vector<16xi32>], vector<16xf32>,
      %slice3A_726 = vector.extract_strided_slice %get3A_87 {offsets = [15], sizes = [1], strides = [1]} : vector<16xf32> to vector<1xf32>
      %squeeze3A_727 = vector.extract %slice3A_726[0] : f32 from vector<1xf32>
      %mul3A_728 = vector.broadcast %squeeze3A_727 : f32 to vector<16xf32>
      %mul3A_729 = arith.mulf %gather3A_725, %mul3A_728 : vector<16xf32>
      %add3A_730 = arith.addf %add3A_717, %mul3A_729 : vector<16xf32>
      %slice3A_731 = vector.extract_strided_slice %get3A_95 {offsets = [15], sizes = [1], strides = [1]} : vector<16xf32> to vector<1xf32>
      %squeeze3A_732 = vector.extract %slice3A_731[0] : f32 from vector<1xf32>
      %mul3A_733 = vector.broadcast %squeeze3A_732 : f32 to vector<16xf32>
      %mul3A_734 = arith.mulf %gather3A_725, %mul3A_733 : vector<16xf32>
      %add3A_735 = arith.addf %add3A_722, %mul3A_734 : vector<16xf32>
      %broadcast_in_dim3A_736 = arith.constant 48 : i32
      %broadcast_in_dim3A_737 = vector.broadcast %broadcast_in_dim3A_736 : i32 to vector<16xi32>
      %gather3A_738 = tpu.vector_load_idx %arg7[%add3A_111, %broadcast_in_dim3A_737] : memref<512x64xf32, #tpu.memory_space<vmem>>[vector<16xi32>, vector<16xi32>], vector<16xf32>,
      %slice3A_739 = vector.extract_strided_slice %get3A_89 {offsets = [0], sizes = [1], strides = [1]} : vector<16xf32> to vector<1xf32>
      %squeeze3A_740 = vector.extract %slice3A_739[0] : f32 from vector<1xf32>
      %mul3A_741 = vector.broadcast %squeeze3A_740 : f32 to vector<16xf32>
      %mul3A_742 = arith.mulf %gather3A_738, %mul3A_741 : vector<16xf32>
      %add3A_743 = arith.addf %add3A_730, %mul3A_742 : vector<16xf32>
      %slice3A_744 = vector.extract_strided_slice %get3A_97 {offsets = [0], sizes = [1], strides = [1]} : vector<16xf32> to vector<1xf32>
      %squeeze3A_745 = vector.extract %slice3A_744[0] : f32 from vector<1xf32>
      %mul3A_746 = vector.broadcast %squeeze3A_745 : f32 to vector<16xf32>
      %mul3A_747 = arith.mulf %gather3A_738, %mul3A_746 : vector<16xf32>
      %add3A_748 = arith.addf %add3A_735, %mul3A_747 : vector<16xf32>
      %broadcast_in_dim3A_749 = arith.constant 49 : i32
      %broadcast_in_dim3A_750 = vector.broadcast %broadcast_in_dim3A_749 : i32 to vector<16xi32>
      %gather3A_751 = tpu.vector_load_idx %arg7[%add3A_111, %broadcast_in_dim3A_750] : memref<512x64xf32, #tpu.memory_space<vmem>>[vector<16xi32>, vector<16xi32>], vector<16xf32>,
      %slice3A_752 = vector.extract_strided_slice %get3A_89 {offsets = [1], sizes = [1], strides = [1]} : vector<16xf32> to vector<1xf32>
      %squeeze3A_753 = vector.extract %slice3A_752[0] : f32 from vector<1xf32>
      %mul3A_754 = vector.broadcast %squeeze3A_753 : f32 to vector<16xf32>
      %mul3A_755 = arith.mulf %gather3A_751, %mul3A_754 : vector<16xf32>
      %add3A_756 = arith.addf %add3A_743, %mul3A_755 : vector<16xf32>
      %slice3A_757 = vector.extract_strided_slice %get3A_97 {offsets = [1], sizes = [1], strides = [1]} : vector<16xf32> to vector<1xf32>
      %squeeze3A_758 = vector.extract %slice3A_757[0] : f32 from vector<1xf32>
      %mul3A_759 = vector.broadcast %squeeze3A_758 : f32 to vector<16xf32>
      %mul3A_760 = arith.mulf %gather3A_751, %mul3A_759 : vector<16xf32>
      %add3A_761 = arith.addf %add3A_748, %mul3A_760 : vector<16xf32>
      %broadcast_in_dim3A_762 = arith.constant 50 : i32
      %broadcast_in_dim3A_763 = vector.broadcast %broadcast_in_dim3A_762 : i32 to vector<16xi32>
      %gather3A_764 = tpu.vector_load_idx %arg7[%add3A_111, %broadcast_in_dim3A_763] : memref<512x64xf32, #tpu.memory_space<vmem>>[vector<16xi32>, vector<16xi32>], vector<16xf32>,
      %slice3A_765 = vector.extract_strided_slice %get3A_89 {offsets = [2], sizes = [1], strides = [1]} : vector<16xf32> to vector<1xf32>
      %squeeze3A_766 = vector.extract %slice3A_765[0] : f32 from vector<1xf32>
      %mul3A_767 = vector.broadcast %squeeze3A_766 : f32 to vector<16xf32>
      %mul3A_768 = arith.mulf %gather3A_764, %mul3A_767 : vector<16xf32>
      %add3A_769 = arith.addf %add3A_756, %mul3A_768 : vector<16xf32>
      %slice3A_770 = vector.extract_strided_slice %get3A_97 {offsets = [2], sizes = [1], strides = [1]} : vector<16xf32> to vector<1xf32>
      %squeeze3A_771 = vector.extract %slice3A_770[0] : f32 from vector<1xf32>
      %mul3A_772 = vector.broadcast %squeeze3A_771 : f32 to vector<16xf32>
      %mul3A_773 = arith.mulf %gather3A_764, %mul3A_772 : vector<16xf32>
      %add3A_774 = arith.addf %add3A_761, %mul3A_773 : vector<16xf32>
      %broadcast_in_dim3A_775 = arith.constant 51 : i32
      %broadcast_in_dim3A_776 = vector.broadcast %broadcast_in_dim3A_775 : i32 to vector<16xi32>
      %gather3A_777 = tpu.vector_load_idx %arg7[%add3A_111, %broadcast_in_dim3A_776] : memref<512x64xf32, #tpu.memory_space<vmem>>[vector<16xi32>, vector<16xi32>], vector<16xf32>,
      %slice3A_778 = vector.extract_strided_slice %get3A_89 {offsets = [3], sizes = [1], strides = [1]} : vector<16xf32> to vector<1xf32>
      %squeeze3A_779 = vector.extract %slice3A_778[0] : f32 from vector<1xf32>
      %mul3A_780 = vector.broadcast %squeeze3A_779 : f32 to vector<16xf32>
      %mul3A_781 = arith.mulf %gather3A_777, %mul3A_780 : vector<16xf32>
      %add3A_782 = arith.addf %add3A_769, %mul3A_781 : vector<16xf32>
      %slice3A_783 = vector.extract_strided_slice %get3A_97 {offsets = [3], sizes = [1], strides = [1]} : vector<16xf32> to vector<1xf32>
      %squeeze3A_784 = vector.extract %slice3A_783[0] : f32 from vector<1xf32>
      %mul3A_785 = vector.broadcast %squeeze3A_784 : f32 to vector<16xf32>
      %mul3A_786 = arith.mulf %gather3A_777, %mul3A_785 : vector<16xf32>
      %add3A_787 = arith.addf %add3A_774, %mul3A_786 : vector<16xf32>
      %broadcast_in_dim3A_788 = arith.constant 52 : i32
      %broadcast_in_dim3A_789 = vector.broadcast %broadcast_in_dim3A_788 : i32 to vector<16xi32>
      %gather3A_790 = tpu.vector_load_idx %arg7[%add3A_111, %broadcast_in_dim3A_789] : memref<512x64xf32, #tpu.memory_space<vmem>>[vector<16xi32>, vector<16xi32>], vector<16xf32>,
      %slice3A_791 = vector.extract_strided_slice %get3A_89 {offsets = [4], sizes = [1], strides = [1]} : vector<16xf32> to vector<1xf32>
      %squeeze3A_792 = vector.extract %slice3A_791[0] : f32 from vector<1xf32>
      %mul3A_793 = vector.broadcast %squeeze3A_792 : f32 to vector<16xf32>
      %mul3A_794 = arith.mulf %gather3A_790, %mul3A_793 : vector<16xf32>
      %add3A_795 = arith.addf %add3A_782, %mul3A_794 : vector<16xf32>
      %slice3A_796 = vector.extract_strided_slice %get3A_97 {offsets = [4], sizes = [1], strides = [1]} : vector<16xf32> to vector<1xf32>
      %squeeze3A_797 = vector.extract %slice3A_796[0] : f32 from vector<1xf32>
      %mul3A_798 = vector.broadcast %squeeze3A_797 : f32 to vector<16xf32>
      %mul3A_799 = arith.mulf %gather3A_790, %mul3A_798 : vector<16xf32>
      %add3A_800 = arith.addf %add3A_787, %mul3A_799 : vector<16xf32>
      %broadcast_in_dim3A_801 = arith.constant 53 : i32
      %broadcast_in_dim3A_802 = vector.broadcast %broadcast_in_dim3A_801 : i32 to vector<16xi32>
      %gather3A_803 = tpu.vector_load_idx %arg7[%add3A_111, %broadcast_in_dim3A_802] : memref<512x64xf32, #tpu.memory_space<vmem>>[vector<16xi32>, vector<16xi32>], vector<16xf32>,
      %slice3A_804 = vector.extract_strided_slice %get3A_89 {offsets = [5], sizes = [1], strides = [1]} : vector<16xf32> to vector<1xf32>
      %squeeze3A_805 = vector.extract %slice3A_804[0] : f32 from vector<1xf32>
      %mul3A_806 = vector.broadcast %squeeze3A_805 : f32 to vector<16xf32>
      %mul3A_807 = arith.mulf %gather3A_803, %mul3A_806 : vector<16xf32>
      %add3A_808 = arith.addf %add3A_795, %mul3A_807 : vector<16xf32>
      %slice3A_809 = vector.extract_strided_slice %get3A_97 {offsets = [5], sizes = [1], strides = [1]} : vector<16xf32> to vector<1xf32>
      %squeeze3A_810 = vector.extract %slice3A_809[0] : f32 from vector<1xf32>
      %mul3A_811 = vector.broadcast %squeeze3A_810 : f32 to vector<16xf32>
      %mul3A_812 = arith.mulf %gather3A_803, %mul3A_811 : vector<16xf32>
      %add3A_813 = arith.addf %add3A_800, %mul3A_812 : vector<16xf32>
      %broadcast_in_dim3A_814 = arith.constant 54 : i32
      %broadcast_in_dim3A_815 = vector.broadcast %broadcast_in_dim3A_814 : i32 to vector<16xi32>
      %gather3A_816 = tpu.vector_load_idx %arg7[%add3A_111, %broadcast_in_dim3A_815] : memref<512x64xf32, #tpu.memory_space<vmem>>[vector<16xi32>, vector<16xi32>], vector<16xf32>,
      %slice3A_817 = vector.extract_strided_slice %get3A_89 {offsets = [6], sizes = [1], strides = [1]} : vector<16xf32> to vector<1xf32>
      %squeeze3A_818 = vector.extract %slice3A_817[0] : f32 from vector<1xf32>
      %mul3A_819 = vector.broadcast %squeeze3A_818 : f32 to vector<16xf32>
      %mul3A_820 = arith.mulf %gather3A_816, %mul3A_819 : vector<16xf32>
      %add3A_821 = arith.addf %add3A_808, %mul3A_820 : vector<16xf32>
      %slice3A_822 = vector.extract_strided_slice %get3A_97 {offsets = [6], sizes = [1], strides = [1]} : vector<16xf32> to vector<1xf32>
      %squeeze3A_823 = vector.extract %slice3A_822[0] : f32 from vector<1xf32>
      %mul3A_824 = vector.broadcast %squeeze3A_823 : f32 to vector<16xf32>
      %mul3A_825 = arith.mulf %gather3A_816, %mul3A_824 : vector<16xf32>
      %add3A_826 = arith.addf %add3A_813, %mul3A_825 : vector<16xf32>
      %broadcast_in_dim3A_827 = arith.constant 55 : i32
      %broadcast_in_dim3A_828 = vector.broadcast %broadcast_in_dim3A_827 : i32 to vector<16xi32>
      %gather3A_829 = tpu.vector_load_idx %arg7[%add3A_111, %broadcast_in_dim3A_828] : memref<512x64xf32, #tpu.memory_space<vmem>>[vector<16xi32>, vector<16xi32>], vector<16xf32>,
      %slice3A_830 = vector.extract_strided_slice %get3A_89 {offsets = [7], sizes = [1], strides = [1]} : vector<16xf32> to vector<1xf32>
      %squeeze3A_831 = vector.extract %slice3A_830[0] : f32 from vector<1xf32>
      %mul3A_832 = vector.broadcast %squeeze3A_831 : f32 to vector<16xf32>
      %mul3A_833 = arith.mulf %gather3A_829, %mul3A_832 : vector<16xf32>
      %add3A_834 = arith.addf %add3A_821, %mul3A_833 : vector<16xf32>
      %slice3A_835 = vector.extract_strided_slice %get3A_97 {offsets = [7], sizes = [1], strides = [1]} : vector<16xf32> to vector<1xf32>
      %squeeze3A_836 = vector.extract %slice3A_835[0] : f32 from vector<1xf32>
      %mul3A_837 = vector.broadcast %squeeze3A_836 : f32 to vector<16xf32>
      %mul3A_838 = arith.mulf %gather3A_829, %mul3A_837 : vector<16xf32>
      %add3A_839 = arith.addf %add3A_826, %mul3A_838 : vector<16xf32>
      %broadcast_in_dim3A_840 = arith.constant 56 : i32
      %broadcast_in_dim3A_841 = vector.broadcast %broadcast_in_dim3A_840 : i32 to vector<16xi32>
      %gather3A_842 = tpu.vector_load_idx %arg7[%add3A_111, %broadcast_in_dim3A_841] : memref<512x64xf32, #tpu.memory_space<vmem>>[vector<16xi32>, vector<16xi32>], vector<16xf32>,
      %slice3A_843 = vector.extract_strided_slice %get3A_89 {offsets = [8], sizes = [1], strides = [1]} : vector<16xf32> to vector<1xf32>
      %squeeze3A_844 = vector.extract %slice3A_843[0] : f32 from vector<1xf32>
      %mul3A_845 = vector.broadcast %squeeze3A_844 : f32 to vector<16xf32>
      %mul3A_846 = arith.mulf %gather3A_842, %mul3A_845 : vector<16xf32>
      %add3A_847 = arith.addf %add3A_834, %mul3A_846 : vector<16xf32>
      %slice3A_848 = vector.extract_strided_slice %get3A_97 {offsets = [8], sizes = [1], strides = [1]} : vector<16xf32> to vector<1xf32>
      %squeeze3A_849 = vector.extract %slice3A_848[0] : f32 from vector<1xf32>
      %mul3A_850 = vector.broadcast %squeeze3A_849 : f32 to vector<16xf32>
      %mul3A_851 = arith.mulf %gather3A_842, %mul3A_850 : vector<16xf32>
      %add3A_852 = arith.addf %add3A_839, %mul3A_851 : vector<16xf32>
      %broadcast_in_dim3A_853 = arith.constant 57 : i32
      %broadcast_in_dim3A_854 = vector.broadcast %broadcast_in_dim3A_853 : i32 to vector<16xi32>
      %gather3A_855 = tpu.vector_load_idx %arg7[%add3A_111, %broadcast_in_dim3A_854] : memref<512x64xf32, #tpu.memory_space<vmem>>[vector<16xi32>, vector<16xi32>], vector<16xf32>,
      %slice3A_856 = vector.extract_strided_slice %get3A_89 {offsets = [9], sizes = [1], strides = [1]} : vector<16xf32> to vector<1xf32>
      %squeeze3A_857 = vector.extract %slice3A_856[0] : f32 from vector<1xf32>
      %mul3A_858 = vector.broadcast %squeeze3A_857 : f32 to vector<16xf32>
      %mul3A_859 = arith.mulf %gather3A_855, %mul3A_858 : vector<16xf32>
      %add3A_860 = arith.addf %add3A_847, %mul3A_859 : vector<16xf32>
      %slice3A_861 = vector.extract_strided_slice %get3A_97 {offsets = [9], sizes = [1], strides = [1]} : vector<16xf32> to vector<1xf32>
      %squeeze3A_862 = vector.extract %slice3A_861[0] : f32 from vector<1xf32>
      %mul3A_863 = vector.broadcast %squeeze3A_862 : f32 to vector<16xf32>
      %mul3A_864 = arith.mulf %gather3A_855, %mul3A_863 : vector<16xf32>
      %add3A_865 = arith.addf %add3A_852, %mul3A_864 : vector<16xf32>
      %broadcast_in_dim3A_866 = arith.constant 58 : i32
      %broadcast_in_dim3A_867 = vector.broadcast %broadcast_in_dim3A_866 : i32 to vector<16xi32>
      %gather3A_868 = tpu.vector_load_idx %arg7[%add3A_111, %broadcast_in_dim3A_867] : memref<512x64xf32, #tpu.memory_space<vmem>>[vector<16xi32>, vector<16xi32>], vector<16xf32>,
      %slice3A_869 = vector.extract_strided_slice %get3A_89 {offsets = [10], sizes = [1], strides = [1]} : vector<16xf32> to vector<1xf32>
      %squeeze3A_870 = vector.extract %slice3A_869[0] : f32 from vector<1xf32>
      %mul3A_871 = vector.broadcast %squeeze3A_870 : f32 to vector<16xf32>
      %mul3A_872 = arith.mulf %gather3A_868, %mul3A_871 : vector<16xf32>
      %add3A_873 = arith.addf %add3A_860, %mul3A_872 : vector<16xf32>
      %slice3A_874 = vector.extract_strided_slice %get3A_97 {offsets = [10], sizes = [1], strides = [1]} : vector<16xf32> to vector<1xf32>
      %squeeze3A_875 = vector.extract %slice3A_874[0] : f32 from vector<1xf32>
      %mul3A_876 = vector.broadcast %squeeze3A_875 : f32 to vector<16xf32>
      %mul3A_877 = arith.mulf %gather3A_868, %mul3A_876 : vector<16xf32>
      %add3A_878 = arith.addf %add3A_865, %mul3A_877 : vector<16xf32>
      %broadcast_in_dim3A_879 = arith.constant 59 : i32
      %broadcast_in_dim3A_880 = vector.broadcast %broadcast_in_dim3A_879 : i32 to vector<16xi32>
      %gather3A_881 = tpu.vector_load_idx %arg7[%add3A_111, %broadcast_in_dim3A_880] : memref<512x64xf32, #tpu.memory_space<vmem>>[vector<16xi32>, vector<16xi32>], vector<16xf32>,
      %slice3A_882 = vector.extract_strided_slice %get3A_89 {offsets = [11], sizes = [1], strides = [1]} : vector<16xf32> to vector<1xf32>
      %squeeze3A_883 = vector.extract %slice3A_882[0] : f32 from vector<1xf32>
      %mul3A_884 = vector.broadcast %squeeze3A_883 : f32 to vector<16xf32>
      %mul3A_885 = arith.mulf %gather3A_881, %mul3A_884 : vector<16xf32>
      %add3A_886 = arith.addf %add3A_873, %mul3A_885 : vector<16xf32>
      %slice3A_887 = vector.extract_strided_slice %get3A_97 {offsets = [11], sizes = [1], strides = [1]} : vector<16xf32> to vector<1xf32>
      %squeeze3A_888 = vector.extract %slice3A_887[0] : f32 from vector<1xf32>
      %mul3A_889 = vector.broadcast %squeeze3A_888 : f32 to vector<16xf32>
      %mul3A_890 = arith.mulf %gather3A_881, %mul3A_889 : vector<16xf32>
      %add3A_891 = arith.addf %add3A_878, %mul3A_890 : vector<16xf32>
      %broadcast_in_dim3A_892 = arith.constant 60 : i32
      %broadcast_in_dim3A_893 = vector.broadcast %broadcast_in_dim3A_892 : i32 to vector<16xi32>
      %gather3A_894 = tpu.vector_load_idx %arg7[%add3A_111, %broadcast_in_dim3A_893] : memref<512x64xf32, #tpu.memory_space<vmem>>[vector<16xi32>, vector<16xi32>], vector<16xf32>,
      %slice3A_895 = vector.extract_strided_slice %get3A_89 {offsets = [12], sizes = [1], strides = [1]} : vector<16xf32> to vector<1xf32>
      %squeeze3A_896 = vector.extract %slice3A_895[0] : f32 from vector<1xf32>
      %mul3A_897 = vector.broadcast %squeeze3A_896 : f32 to vector<16xf32>
      %mul3A_898 = arith.mulf %gather3A_894, %mul3A_897 : vector<16xf32>
      %add3A_899 = arith.addf %add3A_886, %mul3A_898 : vector<16xf32>
      %slice3A_900 = vector.extract_strided_slice %get3A_97 {offsets = [12], sizes = [1], strides = [1]} : vector<16xf32> to vector<1xf32>
      %squeeze3A_901 = vector.extract %slice3A_900[0] : f32 from vector<1xf32>
      %mul3A_902 = vector.broadcast %squeeze3A_901 : f32 to vector<16xf32>
      %mul3A_903 = arith.mulf %gather3A_894, %mul3A_902 : vector<16xf32>
      %add3A_904 = arith.addf %add3A_891, %mul3A_903 : vector<16xf32>
      %broadcast_in_dim3A_905 = arith.constant 61 : i32
      %broadcast_in_dim3A_906 = vector.broadcast %broadcast_in_dim3A_905 : i32 to vector<16xi32>
      %gather3A_907 = tpu.vector_load_idx %arg7[%add3A_111, %broadcast_in_dim3A_906] : memref<512x64xf32, #tpu.memory_space<vmem>>[vector<16xi32>, vector<16xi32>], vector<16xf32>,
      %slice3A_908 = vector.extract_strided_slice %get3A_89 {offsets = [13], sizes = [1], strides = [1]} : vector<16xf32> to vector<1xf32>
      %squeeze3A_909 = vector.extract %slice3A_908[0] : f32 from vector<1xf32>
      %mul3A_910 = vector.broadcast %squeeze3A_909 : f32 to vector<16xf32>
      %mul3A_911 = arith.mulf %gather3A_907, %mul3A_910 : vector<16xf32>
      %add3A_912 = arith.addf %add3A_899, %mul3A_911 : vector<16xf32>
      %slice3A_913 = vector.extract_strided_slice %get3A_97 {offsets = [13], sizes = [1], strides = [1]} : vector<16xf32> to vector<1xf32>
      %squeeze3A_914 = vector.extract %slice3A_913[0] : f32 from vector<1xf32>
      %mul3A_915 = vector.broadcast %squeeze3A_914 : f32 to vector<16xf32>
      %mul3A_916 = arith.mulf %gather3A_907, %mul3A_915 : vector<16xf32>
      %add3A_917 = arith.addf %add3A_904, %mul3A_916 : vector<16xf32>
      %broadcast_in_dim3A_918 = arith.constant 62 : i32
      %broadcast_in_dim3A_919 = vector.broadcast %broadcast_in_dim3A_918 : i32 to vector<16xi32>
      %gather3A_920 = tpu.vector_load_idx %arg7[%add3A_111, %broadcast_in_dim3A_919] : memref<512x64xf32, #tpu.memory_space<vmem>>[vector<16xi32>, vector<16xi32>], vector<16xf32>,
      %slice3A_921 = vector.extract_strided_slice %get3A_89 {offsets = [14], sizes = [1], strides = [1]} : vector<16xf32> to vector<1xf32>
      %squeeze3A_922 = vector.extract %slice3A_921[0] : f32 from vector<1xf32>
      %mul3A_923 = vector.broadcast %squeeze3A_922 : f32 to vector<16xf32>
      %mul3A_924 = arith.mulf %gather3A_920, %mul3A_923 : vector<16xf32>
      %add3A_925 = arith.addf %add3A_912, %mul3A_924 : vector<16xf32>
      %slice3A_926 = vector.extract_strided_slice %get3A_97 {offsets = [14], sizes = [1], strides = [1]} : vector<16xf32> to vector<1xf32>
      %squeeze3A_927 = vector.extract %slice3A_926[0] : f32 from vector<1xf32>
      %mul3A_928 = vector.broadcast %squeeze3A_927 : f32 to vector<16xf32>
      %mul3A_929 = arith.mulf %gather3A_920, %mul3A_928 : vector<16xf32>
      %add3A_930 = arith.addf %add3A_917, %mul3A_929 : vector<16xf32>
      %broadcast_in_dim3A_931 = arith.constant 63 : i32
      %broadcast_in_dim3A_932 = vector.broadcast %broadcast_in_dim3A_931 : i32 to vector<16xi32>
      %gather3A_933 = tpu.vector_load_idx %arg7[%add3A_111, %broadcast_in_dim3A_932] : memref<512x64xf32, #tpu.memory_space<vmem>>[vector<16xi32>, vector<16xi32>], vector<16xf32>,
      %slice3A_934 = vector.extract_strided_slice %get3A_89 {offsets = [15], sizes = [1], strides = [1]} : vector<16xf32> to vector<1xf32>
      %squeeze3A_935 = vector.extract %slice3A_934[0] : f32 from vector<1xf32>
      %mul3A_936 = vector.broadcast %squeeze3A_935 : f32 to vector<16xf32>
      %mul3A_937 = arith.mulf %gather3A_933, %mul3A_936 : vector<16xf32>
      %add3A_938 = arith.addf %add3A_925, %mul3A_937 : vector<16xf32>
      %slice3A_939 = vector.extract_strided_slice %get3A_97 {offsets = [15], sizes = [1], strides = [1]} : vector<16xf32> to vector<1xf32>
      %squeeze3A_940 = vector.extract %slice3A_939[0] : f32 from vector<1xf32>
      %mul3A_941 = vector.broadcast %squeeze3A_940 : f32 to vector<16xf32>
      %mul3A_942 = arith.mulf %gather3A_933, %mul3A_941 : vector<16xf32>
      %add3A_943 = arith.addf %add3A_930, %mul3A_942 : vector<16xf32>
      %slice3A_944 = vector.extract_strided_slice %get3A_99 {offsets = [0], sizes = [1], strides = [1]} : vector<16xf32> to vector<1xf32>
      %squeeze3A_945 = vector.extract %slice3A_944[0] : f32 from vector<1xf32>
      %add3A_946 = vector.broadcast %squeeze3A_945 : f32 to vector<16xf32>
      %add3A_947 = arith.addf %add3A_938, %add3A_946 : vector<16xf32>
      %slice3A_948 = vector.extract_strided_slice %get3A_99 {offsets = [1], sizes = [1], strides = [1]} : vector<16xf32> to vector<1xf32>
      %squeeze3A_949 = vector.extract %slice3A_948[0] : f32 from vector<1xf32>
      %add3A_950 = vector.broadcast %squeeze3A_949 : f32 to vector<16xf32>
      %add3A_951 = arith.addf %add3A_943, %add3A_950 : vector<16xf32>
      %mul3A_952 = arith.constant 2 : i32
      %mul3A_953 = vector.broadcast %mul3A_952 : i32 to vector<16xi32>
      %mul3A_954 = arith.muli %add3A_111, %mul3A_953 : vector<16xi32>
      tpu.vector_store_idx %arg8[%mul3A_954], %add3A_947 : memref<1024xf32, #tpu.memory_space<vmem>>[vector<16xi32>], vector<16xf32>,
      %add3A_955 = arith.constant 1 : i32
      %add3A_956 = vector.broadcast %add3A_955 : i32 to vector<16xi32>
      %add3A_957 = arith.addi %mul3A_954, %add3A_956 : vector<16xi32>
      tpu.vector_store_idx %arg8[%add3A_957], %add3A_951 : memref<1024xf32, #tpu.memory_space<vmem>>[vector<16xi32>], vector<16xf32>,
    }
    %scan3A_104 = arith.constant 32 : i32
    %mul3A_105 = arith.constant 2 : i32
    %mul3A_106 = arith.muli %mul3A_2, %mul3A_105 : i32
    "tpu.region"() ({
      %run_scoped3A = tpu.sem_alloc : memref<!tpu.dma_semaphore, #tpu.memory_space<semaphore_mem>>
      %dma_start3A_107 = tpu.memref_slice %arg5[%mul3A_106] : memref<32768xf32, #tpu.memory_space<hbm>> -> memref<1024xf32, #tpu.memory_space<hbm>>
      %dma_start3A_108 = tpu.memref_slice %arg5[%mul3A_106] : memref<32768xf32, #tpu.memory_space<hbm>> -> memref<1024xf32, #tpu.memory_space<hbm>>
      tpu.enqueue_dma source(%arg8 : memref<1024xf32, #tpu.memory_space<vmem>>) target(%dma_start3A_108 : memref<1024xf32, #tpu.memory_space<hbm>>) target_semaphore(%run_scoped3A : memref<!tpu.dma_semaphore, #tpu.memory_space<semaphore_mem>>)
      %dma_wait3A_109 = tpu.memref_slice %arg5[%mul3A_106] : memref<32768xf32, #tpu.memory_space<hbm>> -> memref<1024xf32, #tpu.memory_space<hbm>>
      %dma_wait3A_110 = tpu.memref_slice %arg5[%mul3A_106] : memref<32768xf32, #tpu.memory_space<hbm>> -> memref<1024xf32, #tpu.memory_space<hbm>>
      tpu.wait_dma2 semaphore(%run_scoped3A : memref<!tpu.dma_semaphore, #tpu.memory_space<semaphore_mem>>) src(%arg8 : memref<1024xf32, #tpu.memory_space<vmem>>) dst(%dma_wait3A_110 : memref<1024xf32, #tpu.memory_space<hbm>>)
      tpu.yield
    }) : () -> ()
    return
  }
}

</mosaic_0001>

<sc_bundles>
// kernel: _router_sc.3.cloned.1.call-start
scs
__scs_entry_jumppad:
0x0: {  	(pc) =	sbr.rel $0x88, $3  }
0x1: {  	(tag) =	ssettag $0x0;
	lr =	simm.s32 $0x1  }
0x2: {  	[smem:$0x3F9E] =	sst lr;
	_ =	strace $0xD0000000  }
0x3: {  	_ = 	snop  }
0x4: {  	_ = 	snop  }
0x5: {  	_ = 	snop  }
0x6: {  	_ = 	snop  }
0x7: {  	_ = 	snop  }
__scs_overlays_trampoline_lowered:
0x8: {  	[smem:$0x3FAD] =	sst s0  }
0x9: {  	[smem:$0x3FAE] =	sst s1  }
0xa: {  	[smem:$0x3FAF] =	sst s2  }
0xb: {  	[smem:$0x3FB0] =	sst s3  }
0xc: {  	[smem:$0x3FB1] =	sst s4  }
0xd: {  	[smem:$0x3FB2] =	sst s5  }
0xe: {  	[smem:$0x3FB3] =	sst s6  }
0xf: {  	[smem:$0x3FB4] =	sst s7  }
0x10: {  	[smem:$0x3FB5] =	sst s8  }
0x11: {  	[smem:$0x3FB6] =	sst s9;
	s0 =	simm.s32 @!p0 $0x0  }
0x12: {  	s1 =	sld [smem:$0x3F9C];
	s0 =	simm.s32 @p0 $0x1  }
0x13: {  	[smem:$0x3FB7] =	sst s0;
	s0 =	simm.s32 @!p1 $0x0  }
0x14: {  	s2 =	sld [smem:$0x3F9B];
	s0 =	simm.s32 @p1 $0x1  }
0x15: {  	[smem:$0x3FB8] =	sst s0;
	s0 =	simm.s32 @!p2 $0x0  }
0x16: {  	s3 =	sld [smem:$0x3FDB];
	s0 =	simm.s32 @p2 $0x1  }
0x17: {  	s4 =	simm.s32 $0x1BF5;
	[smem:$0x3FBA] =	sst s0  }
0x18: {  	s0 =	sld [smem:$0x3F9D];
	_ =	swait.ge [sflag:s4], $0x0  }
0x19: {  	s7 =	sld [smem:$0x3F9E]  }
0x1a: {  	s8 =	sadd.s32 $0xFFFFE003, lr  }
0x1b: {  	s9 =	sadd.s32 $0xFFFFFEF7, lr;
	s5 =	simm.s32 $0xFFFFFFFF;
	p2 =	slt.u32 s8, $0xFFFFF086  }
0x1c: {  	p1 =	slt.u32 s9, $0xF7A;
	s5 =	simm.s32 @!p2 $0x0  }
0x1d: {  	s5 =	simm.s32 @p1 $0x1;
	p0 =	seq.s32 s7, s2  }
0x1e: {  	s7 =	smul.u32 @!p0 $0xF7A, s2;
	p2 =	seq.s32 @!p0 s5, $0x0  }
0x1f: {  	s9 =	smul.u32 $0xF7A, s1;
	s8 =	simm.s32 @!p0 $0x1BF5;
	p2 =	por !p2, p0  }
0x20: {  	[sflag:s8] =	ssyncset.s32 @!p0 $0xFFFFF086;
	s6 =	sadd.s32 @!p0 s3, s7;
	s7 =	simm.s32 @!p0 $0x108  }
0x21: {  	s3 =	sadd.s32 s3, s9;
	s6 =	sadd.s32 @!p0 $0x88, s6;
	s7 =	simm.s32 @p2 $0x1082  }
0x22: {  	[simem:s7], [sflag:s8] =	dma.local @!p0 [hbm:s6], $0xF7A  }
0x23: {  	s9 =	sor.u32 $0xD0000000, s2;
	s6 =	simm.s32 $0x108;
	_ =	swait.ge @!p0 [sflag:s8], $0x0  }
0x24: {  	s3 =	sadd.s32 $0x88, s3;
	s6 =	simm.s32 @!p1 $0x1082;
	[sflag:s4] =	ssyncset.s32 $0xFFFFF086  }
0x25: {  	[simem:s6], [sflag:s4] =	dma.local [hbm:s3], $0xF7A  }
0x26: {  	[smem:$0x3F9E] =	sst s1;
	(tag) =	ssettag s2;
	_ =	strace s9  }
0x27: {  	s1 =	sld [smem:$0x3FAE]  }
0x28: {  	s2 =	sld [smem:$0x3FAF]  }
0x29: {  	s4 =	sld [smem:$0x3FB1]  }
0x2a: {  	p0 =	seq.s32 s5, $0x0;
	s5 =	sld [smem:$0x3FB2]  }
0x2b: {  	s6 =	sld [smem:$0x3FB3]  }
0x2c: {  	s7 =	sld [smem:$0x3FB4]  }
0x2d: {  	s3 =	simm.s32 $0x108;
	s8 =	sld [smem:$0x3FB5]  }
0x2e: {  	s3 =	simm.s32 @!p0 $0x1082;
	s9 =	sld [smem:$0x3FB6]  }
0x2f: {  	lr =	sadd.s32 s0, s3;
	s0 =	sld [smem:$0x3FAD]  }
0x30: {  	s3 =	sld [smem:$0x3FB0]  }
0x31: {  	[smem:$0x3FB9] =	sst s10  }
0x32: {  	s10 =	sld [smem:$0x3FB7];
	_ =	sdelay $0x3  }
0x33: {  	p0 =	seq.s32 s10, $0x1;
	s10 =	sld [smem:$0x3FB9];
	_ =	sdelay $0x3  }
0x34: {  	[smem:$0x3FB9] =	sst s10  }
0x35: {  	s10 =	sld [smem:$0x3FB8];
	_ =	sdelay $0x3  }
0x36: {  	p1 =	seq.s32 s10, $0x1;
	s10 =	sld [smem:$0x3FB9];
	_ =	sdelay $0x3  }
0x37: {  	[smem:$0x3FB9] =	sst s10  }
0x38: {  	s10 =	sld [smem:$0x3FBA]  }
0x39: {  	_ = 	snop;
	(pc) =	sbr.ind lr, $3  }
0x3a: {  	_ = 	snop  }
0x3b: {  	_ = 	snop  }
0x3c: {  	p2 =	seq.s32 s10, $0x1;
	s10 =	sld [smem:$0x3FB9]  }
0x3d: {  	_ =	shalt  }
0x3e: {  	_ =	shalt  }
0x3f: {  	_ =	shalt  }
0x40: {  	_ =	shalt  }
0x41: {  	_ =	shalt  }
0x42: {  	_ =	shalt  }
0x43: {  	_ =	shalt  }
0x44: {  	_ =	shalt  }
0x45: {  	_ =	shalt  }
0x46: {  	_ =	shalt  }
0x47: {  	_ =	shalt  }
0x48: {  	_ =	shalt  }
0x49: {  	_ =	shalt  }
0x4a: {  	_ =	shalt  }
0x4b: {  	_ =	shalt  }
0x4c: {  	_ =	shalt  }
0x4d: {  	_ =	shalt  }
0x4e: {  	_ =	shalt  }
0x4f: {  	_ =	shalt  }
0x50: {  	_ =	shalt  }
0x51: {  	_ =	shalt  }
0x52: {  	_ =	shalt  }
0x53: {  	_ =	shalt  }
0x54: {  	_ =	shalt  }
0x55: {  	_ =	shalt  }
0x56: {  	_ =	shalt  }
0x57: {  	_ =	shalt  }
0x58: {  	_ =	shalt  }
0x59: {  	_ =	shalt  }
0x5a: {  	_ =	shalt  }
0x5b: {  	_ =	shalt  }
0x5c: {  	_ =	shalt  }
0x5d: {  	_ =	shalt  }
0x5e: {  	_ =	shalt  }
0x5f: {  	_ =	shalt  }
0x60: {  	_ =	shalt  }
0x61: {  	_ =	shalt  }
0x62: {  	_ =	shalt  }
0x63: {  	_ =	shalt  }
0x64: {  	_ =	shalt  }
0x65: {  	_ =	shalt  }
0x66: {  	_ =	shalt  }
0x67: {  	_ =	shalt  }
0x68: {  	_ =	shalt  }
0x69: {  	_ =	shalt  }
0x6a: {  	_ =	shalt  }
0x6b: {  	_ =	shalt  }
0x6c: {  	_ =	shalt  }
0x6d: {  	_ =	shalt  }
0x6e: {  	_ =	shalt  }
0x6f: {  	_ =	shalt  }
0x70: {  	_ =	shalt  }
0x71: {  	_ =	shalt  }
0x72: {  	_ =	shalt  }
0x73: {  	_ =	shalt  }
0x74: {  	_ =	shalt  }
0x75: {  	_ =	shalt  }
0x76: {  	_ =	shalt  }
0x77: {  	_ =	shalt  }
0x78: {  	_ =	shalt  }
0x79: {  	_ =	shalt  }
0x7a: {  	_ =	shalt  }
0x7b: {  	_ =	shalt  }
0x7c: {  	_ =	shalt  }
0x7d: {  	_ =	shalt  }
0x7e: {  	_ =	shalt  }
0x7f: {  	_ =	shalt  }
0x80: {  	_ =	shalt  }
0x81: {  	_ =	shalt  }
0x82: {  	_ =	shalt  }
0x83: {  	_ =	shalt  }
0x84: {  	_ =	shalt  }
0x85: {  	_ =	shalt  }
0x86: {  	_ =	shalt  }
0x87: {  	_ =	shalt  }
.Lfunc_end0:
.L_simem_size_0:
called_computation_lowered:
.L_overlay_start_0:
0x88: {  	s2 =	sld [smem:$0x3FD9]  }
0x89: {  	s3 =	sld [smem:$0x3FFE];
	_ =	sdelay $0x1  }
0x8a: {  	s1 =	srdreg.scid  }
0x8b: {  	s0 =	sand.u32 $0x1, s1  }
0x8c: {  	s17 =	sshll.u32 s0, $0xA;
	s2 =	sadd.s32 s3, s2  }
0x8d: {  	s2 =	sadd.s32 s2, s17  }
0x8e: {  	[smem:$0x3FC5] =	sst s2  }
0x8f: {  	_ = 	snop  }
0x90: {  	s2 =	sld [smem:$0x3FC9]  }
0x91: {  	s18 =	sld [smem:$0x3FC7]  }
0x92: {  	s4 =	sld [smem:$0x3FD0];
	(tm) =	ssettm $0x1  }
0x93: {  	s5 =	sld [smem:$0x3FFB];
	_ =	sdelay $0x3  }
0x94: {  	_ =	strace s5  }
0x95: {  	s5 =	sld [smem:$0x3FFC];
	_ =	sdelay $0x3  }
0x96: {  	_ =	strace s5  }
0x97: {  	s5 =	sld [smem:$0x3FFD];
	_ =	sdelay $0x3  }
0x98: {  	_ =	strace s5  }
0x99: {  	_ =	strace $0x8FFFFFFF  }
0x9a: {  	s19 =	sld [smem:$0x3FDB];
	_ =	sdelay $0x1  }
0x9b: {  	s6 =	simm.s32 $_scs_section_size  }
0x9c: {  	s7 =	simm.s32 $_size__tile_overlayer_lowered;
	s8 =	simm.s32 $_tile_overlayer_lowered  }
0x9d: {  	s22 =	simm.s32 $0x1BFF;
	s21 =	sshll.u32 s8, $0x1;
	s5 =	sadd.s32 s6, s19  }
0x9e: {  	s9 =	simm.s32 $0x0;
	s20 =	sshll.u32 s7, $0x1;
	s7 =	sadd.s32 s21, s5  }
0x9f: {  	[timem:s9], [sflag:s22] =	dma.local [hbm:s7], s20  }
0xa0: {  	_ =	swait.ge [sflag:s22], s20  }
0xa1: {  	s6 =	ssub.s32 $0x0, s20;
	[sflag:s22] =	ssyncset.done $0x0  }
0xa2: {  	[sflag:s22] =	ssyncadd.s32 s6;
	_ =	sdelay $0x1  }
0xa3: {  	s23 =	simm.s32 $0x1B8B  }
0xa4: {  	_ =	swait.ge [sflag:s23], $0x1  }
0xa5: {  	[sflag:s23] =	ssyncset.done $0x0  }
0xa6: {  	s25 =	simm.s32 $0x1B8E;
	s24 =	sld [smem:$0x3FFE];
	[sflag:s23] =	ssyncadd.s32 $0xFFFFFFFF  }
0xa7: {  	s26 =	simm.s32 $execute0_lowered;
	[smem:$0x3FD2] =	sst s25  }
0xa8: {  	s7 =	sshll.u32 s26, $0x1;
	_ =	strace $0x80000046;
	[dreg:$0x1] =	wrdreg $0xFFFFFFFF  }
0xa9: {  	s28 =	simm.s32 $_size_execute0_lowered;
	s5 =	sadd.s32 s5, s7;
	[dreg:$0x0] =	wrdreg $0x0  }
0xaa: {  	s7 =	sshll.u32 s28, $0x1;
	[dreg:$0x2] =	wrdreg s5  }
0xab: {  	[dreg:$0x3] =	wrdreg s7  }
0xac: {  	[dreg:$0x4] =	wrdreg $0xC0  }
0xad: {  	_ =	task [dreg:s9], $0x5FFFF  }
0xae: {  	[dreg:$0x1] =	wrdreg $0xFFFFFFFF  }
0xaf: {  	[dreg:$0x0] =	wrdreg $0x60  }
0xb0: {  	[dreg:$0x2] =	wrdreg s2  }
0xb1: {  	[dreg:$0x3] =	wrdreg s24  }
0xb2: {  	[dreg:$0x4] =	wrdreg s18  }
0xb3: {  	[dreg:$0x5] =	wrdreg s4  }
0xb4: {  	[dreg:$0x6] =	wrdreg $0x9  }
0xb5: {  	_ =	task.clear_ibuf [dreg:s9], $0x7FFFF;
	_ =	strace $0x90000046  }
0xb6: {  	s29 =	simm.s32 $0x9;
	_ =	strace $0x80000048  }
0xb7: {  	_ =	swait.ge [sflag:s29], $0x1  }
0xb8: {  	[sflag:s29] =	ssyncadd.s32 $0xFFFFFFFF  }
0xb9: {  	_ =	strace $0x90000048  }
0xba: {  	_ =	sfence  }
0xbb: {  	s30 =	sld [smem:$0x0];
	_ =	sdelay $0x2  }
0xbc: {  	s31 =	sshll.u32 s1, $0xD;
	s1 =	sshrl.u32 s1, $0x2  }
0xbd: {  	s3 =	sand.u32 $0x4000, s31;
	s1 =	sadd.s32 s1, s30  }
0xbe: {  	s0 =	sor.u32 s3, s0;
	s1 =	sshll.u32 s1, $0x11  }
0xbf: {  	s0 =	sor.u32 s1, s0  }
0xc0: {  	s0 =	sadd.s32 $0x8F2B, s0  }
0xc1: {  	[sflag:s0] =	ssyncadd.remote.s32 $0x1  }
0xc2: {  	_ =	sfence.sel $0xFFFF  }
0xc3: {  	[dreg:$0x0] =	wrdreg $0xFFFFFFFF;
	(pc) =	sbr.abs _section_cstart, $3  }
0xc4: {  	[dreg:$0x1] =	wrdreg $0xFFFFFFFF  }
0xc5: {  	_ =	task.clear_ibuf [dreg:s9], $0x2FFFF;
	_ =	strace $0x9FFFFFFF  }
0xc6: {  	(tm) =	ssettm $0x7FFFFFFF  }
0xc7: {  	_ =	shalt  }
tec
execute0_lowered:
.L_overlay_start_1:
0x0: {  	(tag) =	ssettag $0x1  }
0x1: {  	s5 =	rddreg [dreg:$0x0]  }
0x2: {  	s4 =	rddreg [dreg:$0x1]  }
0x3: {  	s1 =	rddreg [dreg:$0x2]  }
0x4: {  	s6 =	rddreg [dreg:$0x3]  }
0x5: {  	s0 =	rddreg [dreg:$0x4];
	s3 =	simm.s32 $0x0;
	s7 =	srdreg.scid  }
0x6: {  	s2 =	stileid.u32;
	s11 =	simm.s32 $0x200;
	s12 =	simm.s32 $0x2200  }
0x7: {  	s13 =	simm.s32 $0x100;
	s14 =	simm.s32 $0x4200;
	s15 =	simm.s32 $0x180  }
0x8: {  	s16 =	simm.s32 $0x6200;
	s17 =	simm.s32 $0x1;
	s18 =	simm.s32 $0x8200  }
0x9: {  	s19 =	simm.s32 $0x0;
	[smem:$0x7FF] =	sst s3;
	s7 =	sand.u32 $0x1, s7  }
0xa: {  	s9 =	sshll.u32 s2, $0x1;
	s4 =	sadd.s32 $0xF42800, s4;
	s8 =	ssub.s32 $0x2, s7  }
0xb: {  	_ =	strace $0x80000047;
	s7 =	sor.u32 s7, s9;
	s10 =	sshrl.u32 s8, $0x1  }
0xc: {  	s9 =	sshll.u32 s7, $0x6;
	s7 =	sshll.u32 s7, $0x7;
	s8 =	ssub.s32 s8, s10  }
0xd: {  	s5 =	sadd.s32 s5, s9;
	s6 =	sadd.s32 s6, s7;
	s9 =	simm.s32 $0x2  }
0xe: {  	v0 =	vlaneseq.u32;
	s10 =	simm.s32 $0x80;
	s7 =	smax.u32 s8, $0x1;
	s8 =	simm.s32 $0x8600  }
.LBB2_1:
0xf: {  	[tilespmem:s8], [sflag:$0x2] =	stream.linear.gather [hbm4b:s1+s3], $0x90, $0x38;
	[tilespmem:$0x8690] =	vst v63  }
0x10: {  	_ =	swait.ge [sflag:s9], $0x90  }
0x11: {  	[sflag:s9] =	ssyncset.done $0x0  }
0x12: {  	[sflag:s9] =	ssyncadd.s32 $0xFFFFFF70  }
0x13: {  	[tilespmem:s3], [sflag:$0x2] =	stream.linear.gather [hbm4b:s5+s3], $0x200, $0x38;
	[tilespmem:$0x8690] =	vst v63  }
0x14: {  	_ =	swait.ge [sflag:s9], $0x200  }
0x15: {  	[sflag:s9] =	ssyncset.done $0x0  }
0x16: {  	[sflag:s9] =	ssyncadd.s32 $0xFFFFFE00  }
0x17: {  	[tilespmem:s11], [sflag:$0x1] =	stream.indirect.gather [hbm4b:s4+s10], $0x40, s3, s10, $0xb8;
	[tilespmem:$0x8690] =	vst v63  }
0x18: {  	_ = 	snop  }
0x19: {  	[tilespmem:s12], [sflag:$0x1] =	stream.indirect.gather [hbm4b:s4+s10], $0x40, s10, s10, $0xb8;
	[tilespmem:$0x8690] =	vst v63  }
0x1a: {  	_ = 	snop  }
0x1b: {  	[tilespmem:s14], [sflag:$0x1] =	stream.indirect.gather [hbm4b:s4+s10], $0x40, s13, s10, $0xb8;
	[tilespmem:$0x8690] =	vst v63  }
0x1c: {  	_ = 	snop  }
0x1d: {  	[tilespmem:s16], [sflag:$0x1] =	stream.indirect.gather [hbm4b:s4+s10], $0x40, s15, s10, $0xb8;
	[tilespmem:$0x8690] =	vst v63  }
0x1e: {  	_ =	swait.ge [sflag:s17], $0x2000  }
0x1f: {  	[sflag:s17] =	ssyncset.done $0x0  }
0x20: {  	[sflag:s17] =	ssyncadd.s32 $0xFFFFE000  }
0x21: {  	_ =	swait.ge [sflag:s17], $0x2000  }
0x22: {  	[sflag:s17] =	ssyncset.done $0x0  }
0x23: {  	[sflag:s17] =	ssyncadd.s32 $0xFFFFE000  }
0x24: {  	_ =	swait.ge [sflag:s17], $0x2000  }
0x25: {  	[sflag:s17] =	ssyncset.done $0x0  }
0x26: {  	[sflag:s17] =	ssyncadd.s32 $0xFFFFE000  }
0x27: {  	_ =	swait.ge [sflag:s17], $0x2000  }
0x28: {  	[sflag:s17] =	ssyncset.done $0x0  }
0x29: {  	[sflag:s17] =	ssyncadd.s32 $0xFFFFE000  }
0x2a: {  	v3 =	vld [tilespmem:$0x8600]  }
0x2b: {  	v4 =	vld [tilespmem:$0x8640];
	_ =	sdelay $0x3  }
0x2c: {  	v1 =	vor.u32 s3, v0  }
0x2d: {  	v0 =	vshll.u32 v1, $0x6;
	v10 =	vbroadcast v3, $0x0;
	v11 =	vbroadcast v4, $0x0  }
0x2e: {  	v2 =	vor.u32 $0x1, v0;
	v12 =	vbroadcast v3, $0x1;
	v13 =	vbroadcast v4, $0x1  }
0x2f: {  	v5 =	vor.u32 $0x2, v0;
	v23 =	vbroadcast v3, $0x2;
	v35 =	vbroadcast v4, $0x2  }
0x30: {  	v7 =	vor.u32 $0x3, v0;
	v26 =	vbroadcast v3, $0x3;
	v34 =	vbroadcast v4, $0x3  }
0x31: {  	v8 =	vor.u32 $0x4, v0;
	v29 =	vbroadcast v3, $0x4;
	v33 =	vbroadcast v4, $0x4  }
0x32: {  	v9 =	vor.u32 $0x5, v0;
	v6 =	vld.idx.msk [tilespmem:v0+s11+$0x0], $0xffff;
	v32 =	vbroadcast v3, $0x5;
	v14 =	vbroadcast v4, $0x5  }
0x33: {  	v57 =	vor.u32 $0x7, v0;
	v30 =	vbroadcast v3, $0x6;
	v31 =	vbroadcast v4, $0x6  }
0x34: {  	v63 =	vor.u32 $0xB, v0;
	v2 =	vld.idx.msk [tilespmem:v2+s11+$0x0], $0xffff;
	v27 =	vbroadcast v3, $0x7;
	v28 =	vbroadcast v4, $0x7  }
0x35: {  	v42 =	vor.u32 $0x12, v0;
	v24 =	vbroadcast v3, $0x8;
	v25 =	vbroadcast v4, $0x8  }
0x36: {  	v49 =	vor.u32 $0x17, v0;
	v5 =	vld.idx.msk [tilespmem:v5+s11+$0x0], $0xffff;
	v21 =	vbroadcast v3, $0x9;
	v22 =	vbroadcast v4, $0x9  }
0x37: {  	v50 =	vor.u32 $0x19, v0;
	v18 =	vbroadcast v3, $0xA;
	[tilespmem:$0x1FB10] =	vst v10;
	v10 =	vmul.f32 v6, v10  }
0x38: {  	v52 =	vor.u32 $0x1A, v0;
	v7 =	vld.idx.msk [tilespmem:v7+s11+$0x0], $0xffff;
	v19 =	vbroadcast v4, $0xA;
	[tilespmem:$0x1FB20] =	vst v11;
	v6 =	vmul.f32 v6, v11  }
0x39: {  	v11 =	vor.u32 $0x6, v0;
	[tilespmem:$0x1FB30] =	vst v12;
	v12 =	vmul.f32 v2, v12;
	v10 =	vadd.f32 $0.0e+00, v10  }
0x3a: {  	v8 =	vld.idx.msk [tilespmem:v8+s11+$0x0], $0xffff;
	v16 =	vbroadcast v3, $0xB;
	v2 =	vmul.f32 v2, v13;
	v6 =	vadd.f32 $0.0e+00, v6  }
0x3b: {  	v17 =	vbroadcast v4, $0xB;
	v58 =	vmul.f32 v5, v23;
	v10 =	vadd.f32 v12, v10  }
0x3c: {  	v9 =	vld.idx.msk [tilespmem:v9+s11+$0x0], $0xffff;
	v15 =	vbroadcast v3, $0xC;
	v5 =	vmul.f32 v5, v35;
	v2 =	vadd.f32 v2, v6  }
0x3d: {  	v59 =	vmul.f32 v7, v26;
	v6 =	vor.u32 $0x8, v0;
	v10 =	vadd.f32 v58, v10  }
0x3e: {  	v20 =	vbroadcast v4, $0xC;
	v7 =	vmul.f32 v7, v34;
	v11 =	vld.idx.msk [tilespmem:v11+s11+$0x0], $0xffff;
	v2 =	vadd.f32 v5, v2  }
0x3f: {  	v60 =	vmul.f32 v8, v29;
	v5 =	vor.u32 $0x9, v0;
	v10 =	vadd.f32 v59, v10  }
0x40: {  	v62 =	vbroadcast v4, $0xE;
	[tilespmem:$0x1FB40] =	vst v13;
	v8 =	vmul.f32 v8, v33;
	v13 =	vld.idx.msk [tilespmem:v57+s11+$0x0], $0xffff;
	v2 =	vadd.f32 v7, v2  }
0x41: {  	[tilespmem:$0x1FB50] =	vst v23;
	v61 =	vmul.f32 v9, v32;
	v7 =	vor.u32 $0xA, v0;
	v10 =	vadd.f32 v60, v10  }
0x42: {  	v23 =	vbroadcast v3, $0xD;
	[tilespmem:$0x1FB70] =	vst v26;
	v9 =	vmul.f32 v9, v14;
	v6 =	vld.idx.msk [tilespmem:v6+s11+$0x0], $0xffff;
	v8 =	vadd.f32 v8, v2  }
0x43: {  	v26 =	vbroadcast v4, $0xD;
	[tilespmem:$0x1FBA0] =	vst v33;
	v33 =	vmul.f32 v11, v30;
	v10 =	vadd.f32 v61, v10  }
0x44: {  	[tilespmem:$0x1FB90] =	vst v29;
	v29 =	vbroadcast v3, $0xE;
	v11 =	vmul.f32 v11, v31;
	v5 =	vld.idx.msk [tilespmem:v5+s11+$0x0], $0xffff;
	v8 =	vadd.f32 v9, v8  }
0x45: {  	v36 =	vld.idx.msk [tilespmem:v63+s11+$0x0], $0xffff;
	[tilespmem:$0x1FB80] =	vst v34;
	v34 =	vmul.f32 v13, v27;
	v9 =	vor.u32 $0xC, v0;
	v10 =	vadd.f32 v33, v10  }
0x46: {  	[tilespmem:$0x1FBF0] =	vst v27;
	v27 =	vbroadcast v4, $0xF;
	v4 =	vmul.f32 v13, v28;
	v7 =	vld.idx.msk [tilespmem:v7+s11+$0x0], $0xffff;
	v8 =	vadd.f32 v11, v8  }
0x47: {  	[tilespmem:$0x1FB60] =	vst v35;
	v11 =	vor.u32 $0xD, v0;
	v35 =	vmul.f32 v6, v24;
	v10 =	vadd.f32 v34, v10  }
0x48: {  	[tilespmem:$0x1FBD0] =	vst v30;
	v2 =	vld [tilespmem:$0x8610];
	v30 =	vbroadcast v3, $0xF;
	v6 =	vmul.f32 v6, v25;
	v4 =	vadd.f32 v4, v8  }
0x49: {  	v3 =	vld [tilespmem:$0x8650];
	v8 =	vor.u32 $0xE, v0;
	v37 =	vmul.f32 v5, v21;
	v10 =	vadd.f32 v35, v10  }
0x4a: {  	v40 =	vmul.f32 v36, v16;
	v5 =	vmul.f32 v5, v22;
	v9 =	vld.idx.msk [tilespmem:v9+s11+$0x0], $0xffff;
	v4 =	vadd.f32 v6, v4  }
0x4b: {  	v6 =	vor.u32 $0xF, v0;
	v39 =	vmul.f32 v7, v18;
	v10 =	vadd.f32 v37, v10  }
0x4c: {  	v13 =	vmul.f32 v36, v17;
	v7 =	vmul.f32 v7, v19;
	v11 =	vld.idx.msk [tilespmem:v11+s11+$0x0], $0xffff;
	v4 =	vadd.f32 v5, v4  }
0x4d: {  	[tilespmem:$0x1FC10] =	vst v24;
	v24 =	vbroadcast v2, $0x0;
	v5 =	vor.u32 $0x10, v0;
	v10 =	vadd.f32 v39, v10  }
0x4e: {  	[tilespmem:$0x1FC70] =	vst v16;
	v38 =	vbroadcast v3, $0x0;
	v16 =	vbroadcast v3, $0x1;
	v8 =	vld.idx.msk [tilespmem:v8+s11+$0x0], $0xffff;
	v4 =	vadd.f32 v7, v4  }
0x4f: {  	v7 =	vor.u32 $0x11, v0;
	v41 =	vmul.f32 v9, v15;
	v10 =	vadd.f32 v40, v10  }
0x50: {  	[tilespmem:$0x1FC80] =	vst v17;
	v17 =	vbroadcast v3, $0x2;
	v9 =	vmul.f32 v9, v20;
	v6 =	vld.idx.msk [tilespmem:v6+s11+$0x0], $0xffff;
	v4 =	vadd.f32 v13, v4  }
0x51: {  	v48 =	vbroadcast v3, $0x4;
	v43 =	vmul.f32 v11, v23;
	v10 =	vadd.f32 v41, v10  }
0x52: {  	v51 =	vbroadcast v3, $0x6;
	v11 =	vmul.f32 v11, v26;
	v5 =	vld.idx.msk [tilespmem:v5+s11+$0x0], $0xffff;
	v4 =	vadd.f32 v9, v4  }
0x53: {  	v9 =	vor.u32 $0x13, v0;
	v44 =	vmul.f32 v8, v29;
	v10 =	vadd.f32 v43, v10  }
0x54: {  	v53 =	vbroadcast v2, $0x8;
	v8 =	vmul.f32 v8, v62;
	v7 =	vld.idx.msk [tilespmem:v7+s11+$0x0], $0xffff;
	v4 =	vadd.f32 v11, v4  }
0x55: {  	v11 =	vor.u32 $0x14, v0;
	v45 =	vmul.f32 v6, v30;
	v10 =	vadd.f32 v44, v10  }
0x56: {  	[tilespmem:$0x1FC50] =	vst v18;
	v18 =	vbroadcast v2, $0x1;
	v13 =	vld.idx.msk [tilespmem:v42+s11+$0x0], $0xffff;
	v6 =	vmul.f32 v6, v27;
	v4 =	vadd.f32 v8, v4  }
0x57: {  	v8 =	vor.u32 $0x15, v0;
	v46 =	vmul.f32 v5, v24;
	v10 =	vadd.f32 v45, v10  }
0x58: {  	[tilespmem:$0x1FC90] =	vst v15;
	v15 =	vbroadcast v2, $0x2;
	v5 =	vmul.f32 v5, v38;
	v9 =	vld.idx.msk [tilespmem:v9+s11+$0x0], $0xffff;
	v4 =	vadd.f32 v6, v4  }
0x59: {  	v6 =	vor.u32 $0x16, v0;
	v47 =	vmul.f32 v7, v18;
	v10 =	vadd.f32 v46, v10  }
0x5a: {  	[tilespmem:$0x1FC30] =	vst v21;
	v21 =	vbroadcast v2, $0x4;
	v7 =	vmul.f32 v7, v16;
	v11 =	vld.idx.msk [tilespmem:v11+s11+$0x0], $0xffff;
	v4 =	vadd.f32 v5, v4  }
0x5b: {  	[tilespmem:$0x1FC60] =	vst v19;
	v19 =	vbroadcast v2, $0x3;
	v5 =	vadd.f32 v47, v10;
	v10 =	vmul.f32 v13, v15  }
0x5c: {  	[tilespmem:$0x1FCA0] =	vst v20;
	v20 =	vbroadcast v3, $0x3;
	v8 =	vld.idx.msk [tilespmem:v8+s11+$0x0], $0xffff;
	v13 =	vmul.f32 v13, v17;
	v4 =	vadd.f32 v7, v4  }
0x5d: {  	v7 =	vmul.f32 v9, v19;
	v5 =	vadd.f32 v10, v5;
	v10 =	vor.u32 $0x18, v0  }
0x5e: {  	v54 =	vbroadcast v2, $0x9;
	v9 =	vmul.f32 v9, v20;
	v6 =	vld.idx.msk [tilespmem:v6+s11+$0x0], $0xffff;
	v4 =	vadd.f32 v13, v4  }
0x5f: {  	[tilespmem:$0x1FD40] =	vst v16;
	v16 =	vbroadcast v2, $0x5;
	v5 =	vadd.f32 v7, v5;
	v7 =	vmul.f32 v11, v21  }
0x60: {  	[tilespmem:$0x1FD50] =	vst v15;
	v15 =	vbroadcast v3, $0x5;
	v11 =	vmul.f32 v11, v48;
	v4 =	vadd.f32 v9, v4;
	v9 =	vld.idx.msk [tilespmem:v49+s11+$0x0], $0xffff  }
0x61: {  	[tilespmem:$0x1FD60] =	vst v17;
	v17 =	vbroadcast v2, $0x6;
	v5 =	vadd.f32 v7, v5;
	v7 =	vmul.f32 v8, v16  }
0x62: {  	[tilespmem:$0x1FDC0] =	vst v15;
	v8 =	vmul.f32 v8, v15;
	v4 =	vadd.f32 v11, v4;
	v15 =	vbroadcast v2, $0x7;
	v10 =	vld.idx.msk [tilespmem:v10+s11+$0x0], $0xffff  }
0x63: {  	[tilespmem:$0x1FDB0] =	vst v16;
	v16 =	vbroadcast v3, $0x7;
	v5 =	vadd.f32 v7, v5;
	v7 =	vmul.f32 v6, v17  }
0x64: {  	v11 =	vld.idx.msk [tilespmem:v50+s11+$0x0], $0xffff;
	v6 =	vmul.f32 v6, v51;
	v4 =	vadd.f32 v8, v4;
	v8 =	vor.u32 $0x1B, v0  }
0x65: {  	v5 =	vadd.f32 v7, v5;
	v7 =	vmul.f32 v9, v15;
	v9 =	vmul.f32 v9, v16  }
0x66: {  	v12 =	vld.idx.msk [tilespmem:v52+s11+$0x0], $0xffff;
	[tilespmem:$0x1FDF0] =	vst v15;
	v4 =	vadd.f32 v6, v4;
	v15 =	vbroadcast v3, $0x8;
	v6 =	vor.u32 $0x1C, v0  }
0x67: {  	v55 =	vbroadcast v3, $0x9;
	v5 =	vadd.f32 v7, v5;
	v7 =	vmul.f32 v10, v53  }
0x68: {  	v4 =	vadd.f32 v9, v4;
	v9 =	vmul.f32 v10, v15;
	v10 =	vor.u32 $0x1D, v0  }
0x69: {  	[tilespmem:$0x1FE20] =	vst v15;
	v15 =	vbroadcast v2, $0xA;
	v5 =	vadd.f32 v7, v5;
	v7 =	vld.idx.msk [tilespmem:v8+s11+$0x0], $0xffff;
	v8 =	vmul.f32 v11, v54  }
0x6a: {  	v56 =	vbroadcast v3, $0xA;
	v4 =	vadd.f32 v9, v4;
	v9 =	vmul.f32 v11, v55  }
0x6b: {  	v11 =	vmul.f32 v12, v15;
	v6 =	vld.idx.msk [tilespmem:v6+s11+$0x0], $0xffff;
	v5 =	vadd.f32 v8, v5;
	v8 =	vor.u32 $0x1E, v0  }
0x6c: {  	v57 =	vbroadcast v2, $0xB;
	v4 =	vadd.f32 v9, v4;
	v9 =	vmul.f32 v12, v56  }
0x6d: {  	v58 =	vbroadcast v3, $0xB;
	v10 =	vld.idx.msk [tilespmem:v10+s11+$0x0], $0xffff;
	v5 =	vadd.f32 v11, v5;
	v11 =	vor.u32 $0x1F, v0  }
0x6e: {  	v59 =	vbroadcast v2, $0xC;
	v4 =	vadd.f32 v9, v4;
	v9 =	vmul.f32 v7, v57  }
0x6f: {  	v61 =	vor.u32 $0x20, v0;
	v60 =	vbroadcast v3, $0xC;
	v7 =	vmul.f32 v7, v58  }
0x70: {  	[tilespmem:$0x1FE50] =	vst v15;
	v15 =	vbroadcast v2, $0xD;
	v5 =	vadd.f32 v9, v5;
	v8 =	vld.idx.msk [tilespmem:v8+s11+$0x0], $0xffff;
	v9 =	vmul.f32 v6, v59  }
0x71: {  	[tilespmem:$0x1FCE0] =	vst v62;
	v62 =	vbroadcast v3, $0xD;
	v4 =	vadd.f32 v7, v4;
	v6 =	vmul.f32 v6, v60  }
0x72: {  	v5 =	vadd.f32 v9, v5;
	v7 =	vld.idx.msk [tilespmem:v11+s11+$0x0], $0xffff;
	v9 =	vmul.f32 v10, v15;
	v11 =	vor.u32 $0x21, v0  }
0x73: {  	[tilespmem:$0x1FEB0] =	vst v15;
	v6 =	vadd.f32 v6, v4;
	v4 =	vld [tilespmem:$0x8620];
	v15 =	vbroadcast v2, $0xE  }
0x74: {  	[tilespmem:$0x1FBB0] =	vst v32;
	v63 =	vbroadcast v2, $0xF;
	v2 =	vld [tilespmem:$0x8660];
	v5 =	vadd.f32 v9, v5;
	v9 =	vmul.f32 v10, v62  }
0x75: {  	[tilespmem:$0x1FE00] =	vst v16;
	v16 =	vbroadcast v3, $0xE;
	v33 =	vmul.f32 v8, v15  }
0x76: {  	v32 =	vor.u32 $0x22, v0;
	v10 =	vld.idx.msk [tilespmem:v61+s11+$0x0], $0xffff;
	[tilespmem:$0x1FED0] =	vst v15;
	v15 =	vbroadcast v3, $0xF;
	v6 =	vadd.f32 v9, v6  }
0x77: {  	v3 =	vadd.f32 v33, v5;
	v5 =	vmul.f32 v8, v16;
	v9 =	vld.idx.msk [tilespmem:v11+s11+$0x0], $0xffff;
	v11 =	vor.u32 $0x23, v0  }
0x78: {  	v8 =	vmul.f32 v7, v63;
	v34 =	vbroadcast v4, $0x0  }
0x79: {  	v35 =	vbroadcast v2, $0x0;
	v37 =	vbroadcast v2, $0x1;
	v5 =	vadd.f32 v5, v6  }
0x7a: {  	v3 =	vadd.f32 v8, v3;
	v6 =	vmul.f32 v7, v15;
	v8 =	vor.u32 $0x24, v0  }
0x7b: {  	[tilespmem:$0x1FF00] =	vst v15;
	v7 =	vld.idx.msk [tilespmem:v32+s11+$0x0], $0xffff;
	v36 =	vmul.f32 v10, v34;
	v15 =	vbroadcast v4, $0x1  }
0x7c: {  	v5 =	vadd.f32 v6, v5;
	v6 =	vmul.f32 v10, v35;
	v10 =	vld.idx.msk [tilespmem:v11+s11+$0x0], $0xffff;
	v11 =	vor.u32 $0x25, v0  }
0x7d: {  	v3 =	vadd.f32 v36, v3;
	v39 =	vmul.f32 v9, v15  }
0x7e: {  	[tilespmem:$0x1FD20] =	vst v38;
	v38 =	vbroadcast v4, $0x2;
	v5 =	vadd.f32 v6, v5;
	v6 =	vmul.f32 v9, v37  }
0x7f: {  	v40 =	vbroadcast v2, $0x2;
	v41 =	vbroadcast v4, $0x3;
	v3 =	vadd.f32 v39, v3;
	v8 =	vld.idx.msk [tilespmem:v8+s11+$0x0], $0xffff  }
0x80: {  	v9 =	vmul.f32 v7, v38;
	v5 =	vadd.f32 v6, v5;
	v6 =	vor.u32 $0x26, v0  }
0x81: {  	v43 =	vor.u32 $0x27, v0;
	[tilespmem:$0x1FF30] =	vst v15;
	v15 =	vbroadcast v2, $0x3;
	v7 =	vmul.f32 v7, v40;
	v42 =	vld.idx.msk [tilespmem:v11+s11+$0x0], $0xffff  }
0x82: {  	v3 =	vadd.f32 v9, v3;
	v9 =	vbroadcast v4, $0x4;
	v11 =	vmul.f32 v10, v41  }
0x83: {  	v5 =	vadd.f32 v7, v5;
	v7 =	vmul.f32 v10, v15;
	v10 =	vbroadcast v2, $0x4  }
0x84: {  	v3 =	vadd.f32 v11, v3;
	v44 =	vmul.f32 v8, v9;
	v11 =	vbroadcast v4, $0x5  }
0x85: {  	[tilespmem:$0x1FF90] =	vst v9;
	v9 =	vor.u32 $0x28, v0;
	v5 =	vadd.f32 v7, v5;
	v7 =	vmul.f32 v8, v10;
	v6 =	vld.idx.msk [tilespmem:v6+s11+$0x0], $0xffff  }
0x86: {  	v45 =	vbroadcast v2, $0x5;
	[tilespmem:$0x1FF80] =	vst v15;
	v3 =	vadd.f32 v44, v3;
	v15 =	vmul.f32 v42, v11  }
0x87: {  	v46 =	vbroadcast v4, $0x6;
	[tilespmem:$0x1FFA0] =	vst v10;
	v10 =	vor.u32 $0x29, v0;
	v5 =	vadd.f32 v7, v5  }
0x88: {  	[tilespmem:$0x1FDA0] =	vst v48;
	v7 =	vmul.f32 v42, v45;
	v3 =	vadd.f32 v15, v3;
	v15 =	vbroadcast v2, $0x6  }
0x89: {  	v48 =	vor.u32 $0x2A, v0;
	v8 =	vld.idx.msk [tilespmem:v43+s11+$0x0], $0xffff;
	[tilespmem:$0x1FFB0] =	vst v11  }
0x8a: {  	v11 =	vld.idx.msk [tilespmem:v9+s11+$0x0], $0xffff;
	v5 =	vadd.f32 v7, v5;
	v9 =	vmul.f32 v6, v46;
	v6 =	vmul.f32 v6, v15  }
0x8b: {  	[tilespmem:$0x1FBE0] =	vst v31;
	v52 =	vor.u32 $0x2D, v0  }
0x8c: {  	[tilespmem:$0x1FD10] =	vst v24;
	v47 =	vbroadcast v4, $0x7;
	v5 =	vadd.f32 v6, v5;
	v6 =	vor.u32 $0x2B, v0  }
0x8d: {  	v31 =	vor.u32 $0x2F, v0;
	[tilespmem:$0x1FDE0] =	vst v51;
	v51 =	vor.u32 $0x2C, v0;
	v7 =	vld.idx.msk [tilespmem:v10+s11+$0x0], $0xffff;
	v10 =	vbroadcast v2, $0x7  }
0x8e: {  	[tilespmem:$0x1FE30] =	vst v54;
	v49 =	vbroadcast v4, $0x8;
	v3 =	vadd.f32 v9, v3;
	v9 =	vmul.f32 v8, v47  }
0x8f: {  	v54 =	vor.u32 $0x2E, v0;
	[tilespmem:$0x1FFE0] =	vst v15;
	v24 =	vmovc v10;
	v15 =	vbroadcast v2, $0x8;
	v8 =	vmul.f32 v8, v10;
	v10 =	vld.idx.msk [tilespmem:v48+s11+$0x0], $0xffff  }
0x90: {  	[tilespmem:$0x1FC20] =	vst v25;
	v50 =	vbroadcast v4, $0x9;
	v3 =	vadd.f32 v9, v3;
	v9 =	vmul.f32 v11, v49  }
0x91: {  	v25 =	vmovc v15;
	v5 =	vadd.f32 v8, v5;
	v8 =	vmul.f32 v11, v15;
	v15 =	vbroadcast v2, $0x9;
	v6 =	vld.idx.msk [tilespmem:v6+s11+$0x0], $0xffff  }
0x92: {  	[tilespmem:$0x1FCC0] =	vst v26;
	v11 =	vbroadcast v4, $0xA;
	v3 =	vadd.f32 v9, v3;
	v9 =	vmul.f32 v7, v50  }
0x93: {  	[tilespmem:$0x1FE10] =	vst v53;
	v53 =	vbroadcast v2, $0xA;
	v5 =	vadd.f32 v8, v5;
	v7 =	vmul.f32 v7, v15;
	v8 =	vld.idx.msk [tilespmem:v51+s11+$0x0], $0xffff  }
0x94: {  	[tilespmem:$0x1FCF0] =	vst v30;
	v26 =	vmovc v11;
	v3 =	vadd.f32 v9, v3;
	v9 =	vmul.f32 v10, v11;
	v11 =	vbroadcast v4, $0xB  }
0x95: {  	[tilespmem:$0x1FE40] =	vst v55;
	v55 =	vbroadcast v2, $0xB;
	v5 =	vadd.f32 v7, v5;
	v7 =	vmul.f32 v10, v53  }
0x96: {  	[tilespmem:$0x1FE60] =	vst v56;
	v30 =	vld.idx.msk [tilespmem:v52+s11+$0x0], $0xffff;
	v10 =	vbroadcast v4, $0xC;
	v3 =	vadd.f32 v9, v3;
	v9 =	vmul.f32 v6, v11  }
0x97: {  	[tilespmem:$0x1FE70] =	vst v57;
	v5 =	vadd.f32 v7, v5;
	v6 =	vmul.f32 v6, v55  }
0x98: {  	[tilespmem:$0x1FD90] =	vst v21;
	v21 =	vmovc v11;
	v11 =	vbroadcast v2, $0xC;
	v3 =	vadd.f32 v9, v3;
	v9 =	vmul.f32 v8, v10  }
0x99: {  	[tilespmem:$0x1FD30] =	vst v18;
	v7 =	vld.idx.msk [tilespmem:v54+s11+$0x0], $0xffff;
	v18 =	vmovc v10;
	v5 =	vadd.f32 v6, v5;
	v10 =	vbroadcast v4, $0xD;
	v6 =	vor.u32 $0x30, v0  }
0x9a: {  	[tilespmem:$0x1FD80] =	vst v20;
	v57 =	vor.u32 $0x31, v0;
	v8 =	vmul.f32 v8, v11  }
0x9b: {  	v56 =	vld.idx.msk [tilespmem:v31+s11+$0x0], $0xffff;
	v20 =	vmovc v11;
	v11 =	vbroadcast v2, $0xD;
	v3 =	vadd.f32 v9, v3;
	v31 =	vmul.f32 v30, v10  }
0x9c: {  	[tilespmem:$0x1FEC0] =	vst v62;
	v62 =	vld [tilespmem:$0x8630];
	v33 =	vbroadcast v2, $0xF;
	v9 =	vbroadcast v4, $0xE;
	v5 =	vadd.f32 v8, v5  }
0x9d: {  	[tilespmem:$0x1FE80] =	vst v58;
	v8 =	vmul.f32 v30, v11;
	v30 =	vbroadcast v4, $0xF;
	v58 =	vadd.f32 v31, v3;
	v3 =	vld [tilespmem:$0x8670]  }
0x9e: {  	[tilespmem:$0x1FE90] =	vst v59;
	v31 =	vbroadcast v2, $0xE;
	v59 =	vmul.f32 v7, v9;
	v4 =	vld.idx.msk [tilespmem:v6+s11+$0x0], $0xffff;
	v6 =	vor.u32 $0x32, v0  }
0x9f: {  	[tilespmem:$0x1FF40] =	vst v37;
	v36 =	vor.u32 $0x33, v0;
	v37 =	vor.u32 $0x34, v0;
	v5 =	vadd.f32 v8, v5  }
0xa0: {  	[tilespmem:$0x1FEA0] =	vst v60;
	v60 =	vmul.f32 v56, v30;
	v8 =	vadd.f32 v59, v58;
	v7 =	vmul.f32 v7, v31  }
0xa1: {  	[tilespmem:$0x1FF10] =	vst v34;
	v34 =	vbroadcast v62, $0x0;
	v2 =	vld.idx.msk [tilespmem:v57+s11+$0x0], $0xffff  }
0xa2: {  	[tilespmem:$0x1FF20] =	vst v35;
	v5 =	vadd.f32 v7, v5;
	v7 =	vadd.f32 v60, v8;
	v8 =	vmul.f32 v56, v33  }
0xa3: {  	[tilespmem:$0x1FF50] =	vst v38;
	v35 =	vbroadcast v3, $0x0;
	v6 =	vld.idx.msk [tilespmem:v6+s11+$0x0], $0xffff;
	v38 =	vmul.f32 v4, v34  }
0xa4: {  	v32 =	vbroadcast v62, $0x1;
	v42 =	vld.idx.msk [tilespmem:v37+s11+$0x0], $0xffff;
	v37 =	vbroadcast v62, $0x3;
	v5 =	vadd.f32 v8, v5  }
0xa5: {  	v8 =	vld.idx.msk [tilespmem:v36+s11+$0x0], $0xffff;
	v4 =	vmul.f32 v4, v35;
	v7 =	vadd.f32 v38, v7;
	v38 =	vbroadcast v3, $0x1  }
0xa6: {  	v43 =	vor.u32 $0x36, v0;
	v39 =	vmul.f32 v2, v32;
	v36 =	vbroadcast v62, $0x2  }
0xa7: {  	v4 =	vadd.f32 v4, v5;
	v5 =	vor.u32 $0x35, v0;
	v2 =	vmul.f32 v2, v38  }
0xa8: {  	[tilespmem:$0x1FF60] =	vst v40;
	v7 =	vadd.f32 v39, v7;
	v39 =	vbroadcast v3, $0x2;
	v40 =	vmul.f32 v6, v36  }
0xa9: {  	[tilespmem:$0x1FF70] =	vst v41;
	v41 =	vbroadcast v3, $0x3;
	v2 =	vadd.f32 v2, v4  }
0xaa: {  	v4 =	vmul.f32 v6, v39;
	v6 =	vadd.f32 v40, v7;
	v7 =	vmul.f32 v8, v37  }
0xab: {  	[tilespmem:$0x1FFD0] =	vst v46;
	v46 =	vor.u32 $0x37, v0;
	v40 =	vbroadcast v62, $0x4  }
0xac: {  	v5 =	vld.idx.msk [tilespmem:v5+s11+$0x0], $0xffff;
	v2 =	vadd.f32 v4, v2;
	v4 =	vadd.f32 v7, v6;
	v6 =	vmul.f32 v8, v41  }
0xad: {  	[tilespmem:$0x1FFC0] =	vst v45;
	v44 =	vbroadcast v3, $0x4;
	v7 =	vld.idx.msk [tilespmem:v43+s11+$0x0], $0xffff;
	v8 =	vor.u32 $0x38, v0;
	v45 =	vmul.f32 v42, v40  }
0xae: {  	v43 =	vbroadcast v62, $0x5;
	v2 =	vadd.f32 v6, v2  }
0xaf: {  	[tilespmem:$0x1FD70] =	vst v19;
	v4 =	vadd.f32 v45, v4;
	v6 =	vmul.f32 v42, v44;
	v45 =	vbroadcast v3, $0x5  }
0xb0: {  	[tilespmem:$0x1FFF0] =	vst v47;
	v19 =	vmovc v50;
	v47 =	vor.u32 $0x39, v0;
	v50 =	vld.idx.msk [tilespmem:v46+s11+$0x0], $0xffff;
	v46 =	vbroadcast v62, $0x7;
	v42 =	vbroadcast v62, $0x6  }
0xb1: {  	v61 =	vmul.f32 v5, v43;
	v2 =	vadd.f32 v6, v2;
	v5 =	vmul.f32 v5, v45  }
0xb2: {  	v48 =	vbroadcast v3, $0x6;
	v6 =	vld.idx.msk [tilespmem:v8+s11+$0x0], $0xffff;
	v8 =	vmul.f32 v7, v42  }
0xb3: {  	[tilespmem:$0x1FC00] =	vst v28;
	v4 =	vadd.f32 v61, v4;
	v2 =	vadd.f32 v5, v2;
	v5 =	vor.u32 $0x3A, v0  }
0xb4: {  	[tilespmem:$0x1FDD0] =	vst v17;
	v17 =	vmovc v49;
	v28 =	vmovc v53;
	v53 =	vor.u32 $0x3B, v0;
	v49 =	vbroadcast v3, $0x7;
	v7 =	vmul.f32 v7, v48  }
0xb5: {  	v51 =	vmul.f32 v50, v46;
	v4 =	vadd.f32 v8, v4;
	v8 =	vld.idx.msk [tilespmem:v47+s11+$0x0], $0xffff;
	v47 =	vbroadcast v62, $0x8  }
0xb6: {  	v2 =	vadd.f32 v7, v2;
	v7 =	vmul.f32 v50, v49;
	v50 =	vbroadcast v3, $0x8  }
0xb7: {  	[tilespmem:$0x1FEE0] =	vst v16;
	v16 =	vmov v55;
	v54 =	vor.u32 $0x3C, v0;
	v52 =	vbroadcast v3, $0x9  }
0xb8: {  	v55 =	vmul.f32 v6, v47;
	v2 =	vadd.f32 v7, v2;
	v6 =	vmul.f32 v6, v50;
	v5 =	vld.idx.msk [tilespmem:v5+s11+$0x0], $0xffff  }
0xb9: {  	v4 =	vadd.f32 v51, v4;
	v51 =	vbroadcast v62, $0x9;
	v7 =	vor.u32 $0x3D, v0  }
0xba: {  	v58 =	vor.u32 $0x3E, v0;
	v2 =	vadd.f32 v6, v2;
	v6 =	vld.idx.msk [tilespmem:v53+s11+$0x0], $0xffff;
	v53 =	vbroadcast v62, $0xA  }
0xbb: {  	[tilespmem:$0x1FEF0] =	vst v63;
	v4 =	vadd.f32 v55, v4;
	v63 =	vmul.f32 v8, v51;
	v8 =	vmul.f32 v8, v52  }
0xbc: {  	v60 =	vld.idx.msk [tilespmem:v54+s11+$0x0], $0xffff;
	v54 =	vbroadcast v62, $0xB;
	v55 =	vbroadcast v3, $0xA  }
0xbd: {  	v4 =	vadd.f32 v63, v4;
	v2 =	vadd.f32 v8, v2;
	v8 =	vmul.f32 v5, v53  }
0xbe: {  	v57 =	vbroadcast v3, $0xB;
	v0 =	vor.u32 $0x3F, v0;
	v7 =	vld.idx.msk [tilespmem:v7+s11+$0x0], $0xffff;
	v5 =	vmul.f32 v5, v55  }
0xbf: {  	v56 =	vbroadcast v62, $0xC;
	v4 =	vadd.f32 v8, v4;
	v8 =	vmul.f32 v6, v54  }
0xc0: {  	v59 =	vbroadcast v3, $0xC;
	v2 =	vadd.f32 v5, v2;
	v5 =	vmul.f32 v6, v57;
	v6 =	vld.idx.msk [tilespmem:v58+s11+$0x0], $0xffff  }
0xc1: {  	v58 =	vbroadcast v62, $0xD;
	v4 =	vadd.f32 v8, v4;
	v8 =	vmul.f32 v60, v56  }
0xc2: {  	v2 =	vadd.f32 v5, v2;
	v5 =	vmul.f32 v60, v59;
	v60 =	vbroadcast v3, $0xD  }
0xc3: {  	v61 =	vbroadcast v62, $0xE;
	v4 =	vadd.f32 v8, v4;
	v8 =	vld.idx.msk [tilespmem:v0+s11+$0x0], $0xffff;
	v0 =	vmul.f32 v7, v58  }
0xc4: {  	v63 =	vbroadcast v3, $0xE;
	v2 =	vadd.f32 v5, v2;
	v5 =	vmul.f32 v7, v60  }
0xc5: {  	v62 =	vbroadcast v62, $0xF;
	v7 =	vmul.f32 v6, v61;
	v4 =	vadd.f32 v0, v4  }
0xc6: {  	v2 =	vadd.f32 v5, v2;
	v0 =	vbroadcast v3, $0xF;
	v3 =	vmul.f32 v6, v63;
	v6 =	vld [tilespmem:$0x8680]  }
0xc7: {  	v4 =	vadd.f32 v7, v4  }
0xc8: {  	[tilespmem:$0x1FBC0] =	vst v14;
	v2 =	vadd.f32 v3, v2;
	v3 =	vmul.f32 v8, v62;
	v5 =	vmul.f32 v8, v0  }
0xc9: {  	[tilespmem:$0x1FC40] =	vst v22  }
0xca: {  	s20 =	simm.s32 $0x10;
	[tilespmem:$0x1FCB0] =	vst v23;
	v7 =	vadd.f32 v3, v4;
	v8 =	vadd.f32 v5, v2;
	v2 =	vlaneseq.u32  }
0xcb: {  	[tilespmem:$0x1FD00] =	vst v27;
	v27 =	vmovc v15;
	v22 =	vmovc v10;
	v5 =	vshll.u32 v1, $0x1;
	v1 =	vbroadcast v6, $0x0;
	v3 =	vor.u32 s20, v2  }
0xcc: {  	[tilespmem:$0x1FCD0] =	vst v29;
	v23 =	vmovc v11;
	v29 =	vmovc v9;
	v2 =	vbroadcast v6, $0x1;
	s20 =	simm.s32 $0x20;
	v6 =	vor.u32 $0x1, v5;
	v4 =	vshll.u32 v3, $0x6  }
.LBB2_2:
0xcd: {  	_ = 	snop  }
0xce: {  	v7 =	vadd.f32 v7, v1  }
0xcf: {  	v9 =	vor.u32 $0x1, v4;
	v8 =	vadd.f32 v8, v2  }
0xd0: {  	[tilespmem:v5+s18+$0x0] =	vst.idx.msk $0xffff, v7  }
0xd1: {  	v11 =	vld [tilespmem:$0x1FB10];
	[tilespmem:v6+s18+$0x0] =	vst.idx.msk $0xffff, v8  }
0xd2: {  	v6 =	vld.idx.msk [tilespmem:v4+s11+$0x0], $0xffff  }
0xd3: {  	v13 =	vld [tilespmem:$0x1FB30]  }
0xd4: {  	v8 =	vld.idx.msk [tilespmem:v9+s11+$0x0], $0xffff  }
0xd5: {  	v5 =	vor.u32 $0x2, v4;
	_ =	sdelay $0x1  }
0xd6: {  	v11 =	vmul.f32 v6, v11;
	_ =	sdelay $0x1  }
0xd7: {  	v13 =	vmul.f32 v8, v13;
	v11 =	vadd.f32 $0.0e+00, v11  }
0xd8: {  	v5 =	vld.idx.msk [tilespmem:v5+s11+$0x0], $0xffff  }
0xd9: {  	v11 =	vadd.f32 v13, v11;
	v13 =	vld [tilespmem:$0x1FB50]  }
0xda: {  	v7 =	vor.u32 $0x3, v4;
	_ =	sdelay $0x3  }
0xdb: {  	v13 =	vmul.f32 v5, v13  }
0xdc: {  	v7 =	vld.idx.msk [tilespmem:v7+s11+$0x0], $0xffff  }
0xdd: {  	v11 =	vadd.f32 v13, v11;
	v13 =	vld [tilespmem:$0x1FB70]  }
0xde: {  	v9 =	vor.u32 $0x4, v4;
	_ =	sdelay $0x3  }
0xdf: {  	v13 =	vmul.f32 v7, v13  }
0xe0: {  	v9 =	vld.idx.msk [tilespmem:v9+s11+$0x0], $0xffff  }
0xe1: {  	v11 =	vadd.f32 v13, v11;
	v13 =	vld [tilespmem:$0x1FB90]  }
0xe2: {  	v10 =	vor.u32 $0x5, v4;
	_ =	sdelay $0x1  }
0xe3: {  	v12 =	vld [tilespmem:$0x1FB20];
	_ =	sdelay $0x1  }
0xe4: {  	v13 =	vmul.f32 v9, v13  }
0xe5: {  	v10 =	vld.idx.msk [tilespmem:v10+s11+$0x0], $0xffff  }
0xe6: {  	v11 =	vadd.f32 v13, v11;
	v13 =	vld [tilespmem:$0x1FBB0]  }
0xe7: {  	v6 =	vmul.f32 v6, v12;
	v12 =	vor.u32 $0x6, v4;
	_ =	sdelay $0x1  }
0xe8: {  	v14 =	vld [tilespmem:$0x1FB40];
	_ =	sdelay $0x1  }
0xe9: {  	v13 =	vmul.f32 v10, v13  }
0xea: {  	v12 =	vld.idx.msk [tilespmem:v12+s11+$0x0], $0xffff  }
0xeb: {  	v11 =	vadd.f32 v13, v11;
	v13 =	vld [tilespmem:$0x1FBD0]  }
0xec: {  	v8 =	vmul.f32 v8, v14;
	v14 =	vor.u32 $0x7, v4;
	_ =	sdelay $0x3  }
0xed: {  	v15 =	vld [tilespmem:$0x1FB60];
	v13 =	vmul.f32 v12, v13  }
0xee: {  	v6 =	vadd.f32 $0.0e+00, v6;
	v14 =	vld.idx.msk [tilespmem:v14+s11+$0x0], $0xffff  }
0xef: {  	v11 =	vadd.f32 v13, v11;
	v13 =	vld [tilespmem:$0x1FBF0]  }
0xf0: {  	v6 =	vadd.f32 v8, v6;
	v8 =	vor.u32 $0x8, v4;
	_ =	sdelay $0x3  }
0xf1: {  	v5 =	vmul.f32 v5, v15;
	v15 =	vld [tilespmem:$0x1FB80];
	v13 =	vmul.f32 v14, v13  }
0xf2: {  	v8 =	vld.idx.msk [tilespmem:v8+s11+$0x0], $0xffff  }
0xf3: {  	v11 =	vadd.f32 v13, v11;
	v13 =	vld [tilespmem:$0x1FC10]  }
0xf4: {  	v5 =	vadd.f32 v5, v6;
	v6 =	vor.u32 $0x9, v4;
	_ =	sdelay $0x3  }
0xf5: {  	v7 =	vmul.f32 v7, v15;
	v15 =	vld [tilespmem:$0x1FBA0];
	v13 =	vmul.f32 v8, v13  }
0xf6: {  	v6 =	vld.idx.msk [tilespmem:v6+s11+$0x0], $0xffff  }
0xf7: {  	v11 =	vadd.f32 v13, v11;
	v13 =	vld [tilespmem:$0x1FC30]  }
0xf8: {  	v5 =	vadd.f32 v7, v5;
	v7 =	vor.u32 $0xA, v4;
	_ =	sdelay $0x3  }
0xf9: {  	v9 =	vmul.f32 v9, v15;
	v15 =	vld [tilespmem:$0x1FBC0];
	v13 =	vmul.f32 v6, v13  }
0xfa: {  	v7 =	vld.idx.msk [tilespmem:v7+s11+$0x0], $0xffff  }
0xfb: {  	v11 =	vadd.f32 v13, v11;
	v13 =	vld [tilespmem:$0x1FC50]  }
0xfc: {  	v5 =	vadd.f32 v9, v5;
	v9 =	vor.u32 $0xB, v4;
	_ =	sdelay $0x3  }
0xfd: {  	v10 =	vmul.f32 v10, v15;
	v15 =	vld [tilespmem:$0x1FBE0];
	v13 =	vmul.f32 v7, v13  }
0xfe: {  	v9 =	vld.idx.msk [tilespmem:v9+s11+$0x0], $0xffff  }
0xff: {  	v11 =	vadd.f32 v13, v11;
	v13 =	vld [tilespmem:$0x1FC70]  }
0x100: {  	v5 =	vadd.f32 v10, v5;
	v10 =	vor.u32 $0xC, v4;
	_ =	sdelay $0x3  }
0x101: {  	v12 =	vmul.f32 v12, v15;
	v15 =	vld [tilespmem:$0x1FC00];
	v13 =	vmul.f32 v9, v13  }
0x102: {  	v10 =	vld.idx.msk [tilespmem:v10+s11+$0x0], $0xffff  }
0x103: {  	v11 =	vadd.f32 v13, v11;
	v13 =	vld [tilespmem:$0x1FC90]  }
0x104: {  	v5 =	vadd.f32 v12, v5;
	v12 =	vor.u32 $0xD, v4;
	_ =	sdelay $0x3  }
0x105: {  	v14 =	vmul.f32 v14, v15;
	v15 =	vld [tilespmem:$0x1FC20];
	v13 =	vmul.f32 v10, v13  }
0x106: {  	v12 =	vld.idx.msk [tilespmem:v12+s11+$0x0], $0xffff  }
0x107: {  	v11 =	vadd.f32 v13, v11;
	v13 =	vld [tilespmem:$0x1FCB0]  }
0x108: {  	v5 =	vadd.f32 v14, v5;
	v14 =	vor.u32 $0xE, v4;
	_ =	sdelay $0x3  }
0x109: {  	v8 =	vmul.f32 v8, v15;
	v15 =	vld [tilespmem:$0x1FC40];
	v13 =	vmul.f32 v12, v13  }
0x10a: {  	v14 =	vld.idx.msk [tilespmem:v14+s11+$0x0], $0xffff  }
0x10b: {  	v11 =	vadd.f32 v13, v11;
	v13 =	vld [tilespmem:$0x1FCD0]  }
0x10c: {  	v5 =	vadd.f32 v8, v5;
	v8 =	vor.u32 $0xF, v4;
	_ =	sdelay $0x3  }
0x10d: {  	v6 =	vmul.f32 v6, v15;
	v15 =	vld [tilespmem:$0x1FC60];
	v13 =	vmul.f32 v14, v13  }
0x10e: {  	v8 =	vld.idx.msk [tilespmem:v8+s11+$0x0], $0xffff  }
0x10f: {  	v11 =	vadd.f32 v13, v11;
	v13 =	vld [tilespmem:$0x1FCF0]  }
0x110: {  	v5 =	vadd.f32 v6, v5;
	v6 =	vor.u32 $0x10, v4;
	_ =	sdelay $0x3  }
0x111: {  	v7 =	vmul.f32 v7, v15;
	v15 =	vld [tilespmem:$0x1FC80];
	v13 =	vmul.f32 v8, v13  }
0x112: {  	v6 =	vld.idx.msk [tilespmem:v6+s11+$0x0], $0xffff  }
0x113: {  	v11 =	vadd.f32 v13, v11;
	v13 =	vld [tilespmem:$0x1FD10]  }
0x114: {  	v5 =	vadd.f32 v7, v5;
	v7 =	vor.u32 $0x11, v4;
	_ =	sdelay $0x3  }
0x115: {  	v9 =	vmul.f32 v9, v15;
	v15 =	vld [tilespmem:$0x1FCA0];
	v13 =	vmul.f32 v6, v13  }
0x116: {  	v7 =	vld.idx.msk [tilespmem:v7+s11+$0x0], $0xffff  }
0x117: {  	v11 =	vadd.f32 v13, v11;
	v13 =	vld [tilespmem:$0x1FD30]  }
0x118: {  	v5 =	vadd.f32 v9, v5;
	v9 =	vor.u32 $0x12, v4;
	_ =	sdelay $0x3  }
0x119: {  	v10 =	vmul.f32 v10, v15;
	v15 =	vld [tilespmem:$0x1FCC0];
	v13 =	vmul.f32 v7, v13  }
0x11a: {  	v9 =	vld.idx.msk [tilespmem:v9+s11+$0x0], $0xffff  }
0x11b: {  	v11 =	vadd.f32 v13, v11;
	v13 =	vld [tilespmem:$0x1FD50]  }
0x11c: {  	v5 =	vadd.f32 v10, v5;
	v10 =	vor.u32 $0x13, v4;
	_ =	sdelay $0x3  }
0x11d: {  	v12 =	vmul.f32 v12, v15;
	v15 =	vld [tilespmem:$0x1FCE0];
	v13 =	vmul.f32 v9, v13  }
0x11e: {  	v10 =	vld.idx.msk [tilespmem:v10+s11+$0x0], $0xffff  }
0x11f: {  	v11 =	vadd.f32 v13, v11;
	v13 =	vld [tilespmem:$0x1FD70]  }
0x120: {  	v5 =	vadd.f32 v12, v5;
	v12 =	vor.u32 $0x14, v4;
	_ =	sdelay $0x3  }
0x121: {  	v14 =	vmul.f32 v14, v15;
	v15 =	vld [tilespmem:$0x1FD00];
	v13 =	vmul.f32 v10, v13  }
0x122: {  	v12 =	vld.idx.msk [tilespmem:v12+s11+$0x0], $0xffff  }
0x123: {  	v11 =	vadd.f32 v13, v11;
	v13 =	vld [tilespmem:$0x1FD90]  }
0x124: {  	v5 =	vadd.f32 v14, v5;
	v14 =	vor.u32 $0x15, v4;
	_ =	sdelay $0x3  }
0x125: {  	v8 =	vmul.f32 v8, v15;
	v15 =	vld [tilespmem:$0x1FD20];
	v13 =	vmul.f32 v12, v13  }
0x126: {  	v14 =	vld.idx.msk [tilespmem:v14+s11+$0x0], $0xffff  }
0x127: {  	v11 =	vadd.f32 v13, v11;
	v13 =	vld [tilespmem:$0x1FDB0]  }
0x128: {  	v5 =	vadd.f32 v8, v5;
	v8 =	vor.u32 $0x16, v4;
	_ =	sdelay $0x3  }
0x129: {  	v6 =	vmul.f32 v6, v15;
	v15 =	vld [tilespmem:$0x1FD40];
	v13 =	vmul.f32 v14, v13  }
0x12a: {  	v8 =	vld.idx.msk [tilespmem:v8+s11+$0x0], $0xffff  }
0x12b: {  	v11 =	vadd.f32 v13, v11;
	v13 =	vld [tilespmem:$0x1FDD0]  }
0x12c: {  	v5 =	vadd.f32 v6, v5;
	v6 =	vor.u32 $0x17, v4;
	_ =	sdelay $0x3  }
0x12d: {  	v7 =	vmul.f32 v7, v15;
	v15 =	vld [tilespmem:$0x1FD60];
	v13 =	vmul.f32 v8, v13  }
0x12e: {  	v6 =	vld.idx.msk [tilespmem:v6+s11+$0x0], $0xffff  }
0x12f: {  	v11 =	vadd.f32 v13, v11;
	v13 =	vld [tilespmem:$0x1FDF0]  }
0x130: {  	v5 =	vadd.f32 v7, v5;
	v7 =	vor.u32 $0x18, v4;
	_ =	sdelay $0x3  }
0x131: {  	v9 =	vmul.f32 v9, v15;
	v15 =	vld [tilespmem:$0x1FD80];
	v13 =	vmul.f32 v6, v13  }
0x132: {  	v7 =	vld.idx.msk [tilespmem:v7+s11+$0x0], $0xffff  }
0x133: {  	v11 =	vadd.f32 v13, v11;
	v13 =	vld [tilespmem:$0x1FE10]  }
0x134: {  	v5 =	vadd.f32 v9, v5;
	v9 =	vor.u32 $0x19, v4;
	_ =	sdelay $0x3  }
0x135: {  	v10 =	vmul.f32 v10, v15;
	v15 =	vld [tilespmem:$0x1FDA0];
	v13 =	vmul.f32 v7, v13  }
0x136: {  	v9 =	vld.idx.msk [tilespmem:v9+s11+$0x0], $0xffff  }
0x137: {  	v11 =	vadd.f32 v13, v11;
	v13 =	vld [tilespmem:$0x1FE30]  }
0x138: {  	v5 =	vadd.f32 v10, v5;
	v10 =	vor.u32 $0x1A, v4;
	_ =	sdelay $0x3  }
0x139: {  	v12 =	vmul.f32 v12, v15;
	v15 =	vld [tilespmem:$0x1FDC0];
	v13 =	vmul.f32 v9, v13  }
0x13a: {  	v10 =	vld.idx.msk [tilespmem:v10+s11+$0x0], $0xffff  }
0x13b: {  	v11 =	vadd.f32 v13, v11;
	v13 =	vld [tilespmem:$0x1FE50]  }
0x13c: {  	v5 =	vadd.f32 v12, v5;
	v12 =	vor.u32 $0x1B, v4;
	_ =	sdelay $0x3  }
0x13d: {  	v14 =	vmul.f32 v14, v15;
	v15 =	vld [tilespmem:$0x1FDE0];
	v13 =	vmul.f32 v10, v13  }
0x13e: {  	v12 =	vld.idx.msk [tilespmem:v12+s11+$0x0], $0xffff  }
0x13f: {  	v11 =	vadd.f32 v13, v11;
	v13 =	vld [tilespmem:$0x1FE70]  }
0x140: {  	v5 =	vadd.f32 v14, v5;
	v14 =	vor.u32 $0x1C, v4;
	_ =	sdelay $0x3  }
0x141: {  	v8 =	vmul.f32 v8, v15;
	v15 =	vld [tilespmem:$0x1FE00];
	v13 =	vmul.f32 v12, v13  }
0x142: {  	v14 =	vld.idx.msk [tilespmem:v14+s11+$0x0], $0xffff  }
0x143: {  	v11 =	vadd.f32 v13, v11;
	v13 =	vld [tilespmem:$0x1FE90]  }
0x144: {  	v5 =	vadd.f32 v8, v5;
	v8 =	vor.u32 $0x1D, v4;
	_ =	sdelay $0x1  }
0x145: {  	v6 =	vmul.f32 v6, v15;
	v15 =	vld [tilespmem:$0x1FE20];
	_ =	sdelay $0x1  }
0x146: {  	v13 =	vmul.f32 v14, v13  }
0x147: {  	v8 =	vld.idx.msk [tilespmem:v8+s11+$0x0], $0xffff  }
0x148: {  	v5 =	vadd.f32 v6, v5;
	v6 =	vor.u32 $0x1E, v4;
	v11 =	vadd.f32 v13, v11;
	v13 =	vld [tilespmem:$0x1FEB0]  }
0x149: {  	v7 =	vmul.f32 v7, v15;
	v15 =	vld [tilespmem:$0x1FE40];
	_ =	sdelay $0x3  }
0x14a: {  	v6 =	vld.idx.msk [tilespmem:v6+s11+$0x0], $0xffff;
	v13 =	vmul.f32 v8, v13  }
0x14b: {  	v9 =	vmul.f32 v9, v15;
	v15 =	vld [tilespmem:$0x1FE60]  }
0x14c: {  	v11 =	vadd.f32 v13, v11;
	v13 =	vld [tilespmem:$0x1FED0]  }
0x14d: {  	v5 =	vadd.f32 v7, v5;
	v7 =	vor.u32 $0x1F, v4;
	_ =	sdelay $0x3  }
0x14e: {  	v10 =	vmul.f32 v10, v15;
	v15 =	vld [tilespmem:$0x1FE80];
	v13 =	vmul.f32 v6, v13  }
0x14f: {  	v7 =	vld.idx.msk [tilespmem:v7+s11+$0x0], $0xffff  }
0x150: {  	v11 =	vadd.f32 v13, v11;
	v13 =	vld [tilespmem:$0x1FEF0]  }
0x151: {  	v5 =	vadd.f32 v9, v5;
	v9 =	vor.u32 $0x20, v4;
	_ =	sdelay $0x1  }
0x152: {  	v12 =	vmul.f32 v12, v15;
	v15 =	vld [tilespmem:$0x1FEA0];
	_ =	sdelay $0x1  }
0x153: {  	v13 =	vmul.f32 v7, v13  }
0x154: {  	v9 =	vld.idx.msk [tilespmem:v9+s11+$0x0], $0xffff  }
0x155: {  	v5 =	vadd.f32 v10, v5;
	v10 =	vor.u32 $0x21, v4;
	v11 =	vadd.f32 v13, v11;
	v13 =	vld [tilespmem:$0x1FF10]  }
0x156: {  	v14 =	vmul.f32 v14, v15;
	v15 =	vld [tilespmem:$0x1FEC0];
	_ =	sdelay $0x3  }
0x157: {  	v10 =	vld.idx.msk [tilespmem:v10+s11+$0x0], $0xffff;
	v13 =	vmul.f32 v9, v13  }
0x158: {  	v8 =	vmul.f32 v8, v15;
	v15 =	vld [tilespmem:$0x1FEE0]  }
0x159: {  	v11 =	vadd.f32 v13, v11;
	v13 =	vld [tilespmem:$0x1FF30]  }
0x15a: {  	v5 =	vadd.f32 v12, v5;
	v12 =	vor.u32 $0x22, v4;
	_ =	sdelay $0x3  }
0x15b: {  	v6 =	vmul.f32 v6, v15;
	v15 =	vld [tilespmem:$0x1FF00];
	v13 =	vmul.f32 v10, v13  }
0x15c: {  	v12 =	vld.idx.msk [tilespmem:v12+s11+$0x0], $0xffff  }
0x15d: {  	v11 =	vadd.f32 v13, v11;
	v13 =	vld [tilespmem:$0x1FF50]  }
0x15e: {  	v5 =	vadd.f32 v14, v5;
	v14 =	vor.u32 $0x23, v4;
	_ =	sdelay $0x1  }
0x15f: {  	v7 =	vmul.f32 v7, v15;
	v15 =	vld [tilespmem:$0x1FF20];
	_ =	sdelay $0x1  }
0x160: {  	v13 =	vmul.f32 v12, v13  }
0x161: {  	v14 =	vld.idx.msk [tilespmem:v14+s11+$0x0], $0xffff  }
0x162: {  	v5 =	vadd.f32 v8, v5;
	v8 =	vor.u32 $0x24, v4;
	v11 =	vadd.f32 v13, v11;
	v13 =	vld [tilespmem:$0x1FF70]  }
0x163: {  	v9 =	vmul.f32 v9, v15;
	v15 =	vld [tilespmem:$0x1FF40];
	_ =	sdelay $0x3  }
0x164: {  	v8 =	vld.idx.msk [tilespmem:v8+s11+$0x0], $0xffff;
	v13 =	vmul.f32 v14, v13  }
0x165: {  	v10 =	vmul.f32 v10, v15;
	v15 =	vld [tilespmem:$0x1FF60]  }
0x166: {  	v11 =	vadd.f32 v13, v11;
	v13 =	vld [tilespmem:$0x1FF90]  }
0x167: {  	v5 =	vadd.f32 v6, v5;
	v6 =	vor.u32 $0x25, v4;
	_ =	sdelay $0x3  }
0x168: {  	v12 =	vmul.f32 v12, v15;
	v15 =	vld [tilespmem:$0x1FF80];
	v13 =	vmul.f32 v8, v13  }
0x169: {  	v6 =	vld.idx.msk [tilespmem:v6+s11+$0x0], $0xffff  }
0x16a: {  	v11 =	vadd.f32 v13, v11;
	v13 =	vld [tilespmem:$0x1FFB0]  }
0x16b: {  	v5 =	vadd.f32 v7, v5;
	v7 =	vor.u32 $0x26, v4;
	_ =	sdelay $0x1  }
0x16c: {  	v14 =	vmul.f32 v14, v15;
	v15 =	vld [tilespmem:$0x1FFA0];
	_ =	sdelay $0x1  }
0x16d: {  	v13 =	vmul.f32 v6, v13  }
0x16e: {  	v7 =	vld.idx.msk [tilespmem:v7+s11+$0x0], $0xffff  }
0x16f: {  	v5 =	vadd.f32 v9, v5;
	v9 =	vor.u32 $0x27, v4;
	v11 =	vadd.f32 v13, v11;
	v13 =	vld [tilespmem:$0x1FFD0]  }
0x170: {  	v8 =	vmul.f32 v8, v15;
	v15 =	vld [tilespmem:$0x1FFC0];
	_ =	sdelay $0x1  }
0x171: {  	v5 =	vadd.f32 v10, v5  }
0x172: {  	v10 =	vor.u32 $0x28, v4  }
0x173: {  	v9 =	vld.idx.msk [tilespmem:v9+s11+$0x0], $0xffff;
	v5 =	vadd.f32 v12, v5;
	v13 =	vmul.f32 v7, v13  }
0x174: {  	v12 =	vor.u32 $0x29, v4;
	v6 =	vmul.f32 v6, v15;
	v15 =	vld [tilespmem:$0x1FFE0]  }
0x175: {  	v5 =	vadd.f32 v14, v5;
	v11 =	vadd.f32 v13, v11;
	v13 =	vld [tilespmem:$0x1FFF0]  }
0x176: {  	v14 =	vor.u32 $0x2A, v4  }
0x177: {  	v10 =	vld.idx.msk [tilespmem:v10+s11+$0x0], $0xffff;
	v5 =	vadd.f32 v8, v5  }
0x178: {  	v8 =	vor.u32 $0x2B, v4  }
0x179: {  	v12 =	vld.idx.msk [tilespmem:v12+s11+$0x0], $0xffff;
	v5 =	vadd.f32 v6, v5;
	v7 =	vmul.f32 v7, v15  }
0x17a: {  	v6 =	vor.u32 $0x2C, v4;
	v13 =	vmul.f32 v9, v13  }
0x17b: {  	v14 =	vld.idx.msk [tilespmem:v14+s11+$0x0], $0xffff;
	v5 =	vadd.f32 v7, v5;
	v9 =	vmul.f32 v9, v24  }
0x17c: {  	v7 =	vor.u32 $0x2D, v4;
	v11 =	vadd.f32 v13, v11;
	v13 =	vmul.f32 v10, v17  }
0x17d: {  	v8 =	vld.idx.msk [tilespmem:v8+s11+$0x0], $0xffff;
	v10 =	vmul.f32 v10, v25;
	v5 =	vadd.f32 v9, v5  }
0x17e: {  	v9 =	vor.u32 $0x2E, v4;
	v11 =	vadd.f32 v13, v11;
	v13 =	vmul.f32 v12, v19  }
0x17f: {  	v6 =	vld.idx.msk [tilespmem:v6+s11+$0x0], $0xffff;
	v12 =	vmul.f32 v12, v27;
	v5 =	vadd.f32 v10, v5  }
0x180: {  	v10 =	vor.u32 $0x2F, v4;
	v11 =	vadd.f32 v13, v11;
	v13 =	vmul.f32 v14, v26  }
0x181: {  	v7 =	vld.idx.msk [tilespmem:v7+s11+$0x0], $0xffff;
	v14 =	vmul.f32 v14, v28;
	v5 =	vadd.f32 v12, v5  }
0x182: {  	v12 =	vor.u32 $0x30, v4;
	v11 =	vadd.f32 v13, v11;
	v13 =	vmul.f32 v8, v21  }
0x183: {  	v9 =	vld.idx.msk [tilespmem:v9+s11+$0x0], $0xffff;
	v8 =	vmul.f32 v8, v16;
	v5 =	vadd.f32 v14, v5  }
0x184: {  	v14 =	vor.u32 $0x31, v4;
	v11 =	vadd.f32 v13, v11;
	v13 =	vmul.f32 v6, v18  }
0x185: {  	v10 =	vld.idx.msk [tilespmem:v10+s11+$0x0], $0xffff;
	v6 =	vmul.f32 v6, v20;
	v5 =	vadd.f32 v8, v5  }
0x186: {  	v8 =	vor.u32 $0x32, v4;
	v11 =	vadd.f32 v13, v11;
	v13 =	vmul.f32 v7, v22  }
0x187: {  	v12 =	vld.idx.msk [tilespmem:v12+s11+$0x0], $0xffff;
	v7 =	vmul.f32 v7, v23;
	v5 =	vadd.f32 v6, v5  }
0x188: {  	v6 =	vor.u32 $0x33, v4;
	v11 =	vadd.f32 v13, v11;
	v13 =	vmul.f32 v9, v29  }
0x189: {  	v14 =	vld.idx.msk [tilespmem:v14+s11+$0x0], $0xffff;
	v9 =	vmul.f32 v9, v31;
	v5 =	vadd.f32 v7, v5  }
0x18a: {  	v7 =	vor.u32 $0x34, v4;
	v11 =	vadd.f32 v13, v11;
	v13 =	vmul.f32 v10, v30  }
0x18b: {  	v8 =	vld.idx.msk [tilespmem:v8+s11+$0x0], $0xffff;
	v10 =	vmul.f32 v10, v33;
	v5 =	vadd.f32 v9, v5  }
0x18c: {  	v9 =	vor.u32 $0x35, v4;
	v11 =	vadd.f32 v13, v11;
	v13 =	vmul.f32 v12, v34  }
0x18d: {  	v6 =	vld.idx.msk [tilespmem:v6+s11+$0x0], $0xffff;
	v12 =	vmul.f32 v12, v35;
	v5 =	vadd.f32 v10, v5  }
0x18e: {  	v10 =	vor.u32 $0x36, v4;
	v11 =	vadd.f32 v13, v11;
	v13 =	vmul.f32 v14, v32  }
0x18f: {  	v7 =	vld.idx.msk [tilespmem:v7+s11+$0x0], $0xffff;
	v14 =	vmul.f32 v14, v38;
	v5 =	vadd.f32 v12, v5  }
0x190: {  	v12 =	vor.u32 $0x37, v4;
	v11 =	vadd.f32 v13, v11;
	v13 =	vmul.f32 v8, v36  }
0x191: {  	v9 =	vld.idx.msk [tilespmem:v9+s11+$0x0], $0xffff;
	v8 =	vmul.f32 v8, v39;
	v5 =	vadd.f32 v14, v5  }
0x192: {  	v14 =	vor.u32 $0x38, v4;
	v11 =	vadd.f32 v13, v11;
	v13 =	vmul.f32 v6, v37  }
0x193: {  	v10 =	vld.idx.msk [tilespmem:v10+s11+$0x0], $0xffff;
	v6 =	vmul.f32 v6, v41;
	v5 =	vadd.f32 v8, v5  }
0x194: {  	v8 =	vor.u32 $0x39, v4;
	v11 =	vadd.f32 v13, v11;
	v13 =	vmul.f32 v7, v40  }
0x195: {  	v12 =	vld.idx.msk [tilespmem:v12+s11+$0x0], $0xffff;
	v7 =	vmul.f32 v7, v44;
	v5 =	vadd.f32 v6, v5  }
0x196: {  	v6 =	vor.u32 $0x3A, v4;
	v11 =	vadd.f32 v13, v11;
	v13 =	vmul.f32 v9, v43  }
0x197: {  	v14 =	vld.idx.msk [tilespmem:v14+s11+$0x0], $0xffff;
	v9 =	vmul.f32 v9, v45;
	v5 =	vadd.f32 v7, v5  }
0x198: {  	v7 =	vor.u32 $0x3B, v4;
	v11 =	vadd.f32 v13, v11;
	v13 =	vmul.f32 v10, v42  }
0x199: {  	v8 =	vld.idx.msk [tilespmem:v8+s11+$0x0], $0xffff;
	v10 =	vmul.f32 v10, v48;
	v5 =	vadd.f32 v9, v5  }
0x19a: {  	v9 =	vor.u32 $0x3C, v4;
	v11 =	vadd.f32 v13, v11;
	v13 =	vmul.f32 v12, v46  }
0x19b: {  	v6 =	vld.idx.msk [tilespmem:v6+s11+$0x0], $0xffff;
	v12 =	vmul.f32 v12, v49;
	v5 =	vadd.f32 v10, v5  }
0x19c: {  	v10 =	vor.u32 $0x3D, v4;
	v11 =	vadd.f32 v13, v11;
	v13 =	vmul.f32 v14, v47  }
0x19d: {  	v7 =	vld.idx.msk [tilespmem:v7+s11+$0x0], $0xffff;
	v14 =	vmul.f32 v14, v50;
	v5 =	vadd.f32 v12, v5  }
0x19e: {  	v12 =	vor.u32 $0x3E, v4;
	v11 =	vadd.f32 v13, v11;
	v13 =	vmul.f32 v8, v51  }
0x19f: {  	v9 =	vld.idx.msk [tilespmem:v9+s11+$0x0], $0xffff;
	v8 =	vmul.f32 v8, v52;
	v5 =	vadd.f32 v14, v5  }
0x1a0: {  	v4 =	vor.u32 $0x3F, v4;
	v11 =	vadd.f32 v13, v11;
	v13 =	vmul.f32 v6, v53  }
0x1a1: {  	v10 =	vld.idx.msk [tilespmem:v10+s11+$0x0], $0xffff;
	v6 =	vmul.f32 v6, v55;
	v5 =	vadd.f32 v8, v5  }
0x1a2: {  	v8 =	vadd.f32 v13, v11;
	v11 =	vmul.f32 v7, v54  }
0x1a3: {  	v12 =	vld.idx.msk [tilespmem:v12+s11+$0x0], $0xffff;
	v7 =	vmul.f32 v7, v57;
	v5 =	vadd.f32 v6, v5  }
0x1a4: {  	v6 =	vadd.f32 v11, v8;
	v8 =	vmul.f32 v9, v56  }
0x1a5: {  	v4 =	vld.idx.msk [tilespmem:v4+s11+$0x0], $0xffff;
	v9 =	vmul.f32 v9, v59;
	v5 =	vadd.f32 v7, v5  }
0x1a6: {  	v7 =	vmul.f32 v10, v58;
	v6 =	vadd.f32 v8, v6  }
0x1a7: {  	v8 =	vmul.f32 v10, v60;
	v5 =	vadd.f32 v9, v5  }
0x1a8: {  	p0 =	sne.s32 s20, $0x1F0;
	v6 =	vadd.f32 v7, v6;
	v7 =	vmul.f32 v12, v61  }
.Ltmp0:
0x1a9: {  	v9 =	vmul.f32 v12, v63;
	v5 =	vadd.f32 v8, v5;
	(pc) =	sbr.rel @p0 .LBB2_2-.Ltmp0, $4  }
0x1aa: {  	v8 =	vmul.f32 v4, v0;
	v6 =	vadd.f32 v7, v6;
	v7 =	vmul.f32 v4, v62  }
0x1ab: {  	v9 =	vadd.f32 v9, v5;
	v5 =	vshll.u32 v3, $0x1;
	v3 =	vlaneseq.u32  }
0x1ac: {  	v3 =	vor.u32 s20, v3;
	v7 =	vadd.f32 v7, v6  }
0x1ad: {  	s20 =	sadd.s32 $0x10, s20;
	v6 =	vor.u32 $0x1, v5;
	v4 =	vshll.u32 v3, $0x6;
	v8 =	vadd.f32 v8, v9  }
0x1ae: {  	_ =	sdelay $0x1  }
0x1af: {  	v7 =	vadd.f32 v7, v1  }
0x1b0: {  	v8 =	vadd.f32 v8, v2  }
0x1b1: {  	v10 =	vld [tilespmem:$0x1FB10];
	[tilespmem:v5+s18+$0x0] =	vst.idx.msk $0xffff, v7  }
0x1b2: {  	v9 =	vor.u32 $0x1, v4;
	v12 =	vld [tilespmem:$0x1FB20];
	[tilespmem:v6+s18+$0x0] =	vst.idx.msk $0xffff, v8  }
0x1b3: {  	v6 =	vld.idx.msk [tilespmem:v4+s11+$0x0], $0xffff;
	_ =	sdelay $0x3  }
0x1b4: {  	v8 =	vld.idx.msk [tilespmem:v9+s11+$0x0], $0xffff  }
0x1b5: {  	v10 =	vmul.f32 v6, v10;
	v6 =	vmul.f32 v6, v12;
	v12 =	vld [tilespmem:$0x1FB30]  }
0x1b6: {  	v15 =	vor.u32 $0x2, v4;
	_ =	sdelay $0x3  }
0x1b7: {  	v14 =	vld [tilespmem:$0x1FB40];
	v10 =	vadd.f32 $0.0e+00, v10;
	v12 =	vmul.f32 v8, v12  }
0x1b8: {  	v5 =	vld.idx.msk [tilespmem:v15+s11+$0x0], $0xffff  }
0x1b9: {  	v7 =	vor.u32 $0x3, v4;
	v10 =	vadd.f32 v12, v10;
	v12 =	vld [tilespmem:$0x1FB50]  }
0x1ba: {  	v15 =	vld [tilespmem:$0x1FB60];
	_ =	sdelay $0x1  }
0x1bb: {  	v9 =	vor.u32 $0x4, v4  }
0x1bc: {  	v11 =	vor.u32 $0x5, v4  }
0x1bd: {  	v13 =	vor.u32 $0x6, v4;
	v7 =	vld.idx.msk [tilespmem:v7+s11+$0x0], $0xffff;
	v12 =	vmul.f32 v5, v12  }
0x1be: {  	v6 =	vadd.f32 $0.0e+00, v6;
	v8 =	vmul.f32 v8, v14;
	v5 =	vmul.f32 v5, v15;
	v15 =	vld [tilespmem:$0x1FB80]  }
0x1bf: {  	v10 =	vadd.f32 v12, v10;
	v12 =	vld [tilespmem:$0x1FB70]  }
0x1c0: {  	v9 =	vld.idx.msk [tilespmem:v9+s11+$0x0], $0xffff;
	v6 =	vadd.f32 v8, v6  }
0x1c1: {  	v8 =	vld.idx.msk [tilespmem:v11+s11+$0x0], $0xffff  }
0x1c2: {  	v5 =	vadd.f32 v5, v6;
	v6 =	vld.idx.msk [tilespmem:v13+s11+$0x0], $0xffff  }
0x1c3: {  	v13 =	vld [tilespmem:$0x1FB90]  }
0x1c4: {  	v11 =	vmul.f32 v7, v12;
	v7 =	vmul.f32 v7, v15;
	v15 =	vld [tilespmem:$0x1FBA0];
	_ =	sdelay $0x4  }
0x1c5: {  	v10 =	vadd.f32 v11, v10;
	v11 =	vmul.f32 v9, v13;
	v9 =	vmul.f32 v9, v15;
	v15 =	vld [tilespmem:$0x1FBB0];
	_ =	sdelay $0x2  }
0x1c6: {  	v12 =	vor.u32 $0x8, v4;
	_ =	sdelay $0x1  }
0x1c7: {  	v10 =	vadd.f32 v11, v10;
	v11 =	vmul.f32 v8, v15;
	v15 =	vld [tilespmem:$0x1FBC0]  }
0x1c8: {  	v5 =	vadd.f32 v7, v5  }
0x1c9: {  	v14 =	vor.u32 $0x7, v4  }
0x1ca: {  	v13 =	vor.u32 $0x9, v4;
	v5 =	vadd.f32 v9, v5;
	v9 =	vld.idx.msk [tilespmem:v12+s11+$0x0], $0xffff  }
0x1cb: {  	v12 =	vld [tilespmem:$0x1FBD0]  }
0x1cc: {  	v8 =	vmul.f32 v8, v15;
	v15 =	vld [tilespmem:$0x1FBE0];
	_ =	sdelay $0x1  }
0x1cd: {  	v7 =	vld.idx.msk [tilespmem:v14+s11+$0x0], $0xffff  }
0x1ce: {  	v5 =	vadd.f32 v8, v5;
	v8 =	vld.idx.msk [tilespmem:v13+s11+$0x0], $0xffff  }
0x1cf: {  	v13 =	vld [tilespmem:$0x1FBF0]  }
0x1d0: {  	v10 =	vadd.f32 v11, v10;
	v11 =	vmul.f32 v6, v12;
	v6 =	vmul.f32 v6, v15;
	v15 =	vld [tilespmem:$0x1FC00];
	_ =	sdelay $0x4  }
0x1d1: {  	v10 =	vadd.f32 v11, v10;
	v11 =	vmul.f32 v7, v13;
	v7 =	vmul.f32 v7, v15;
	v15 =	vld [tilespmem:$0x1FC10];
	_ =	sdelay $0x2  }
0x1d2: {  	v12 =	vor.u32 $0xB, v4;
	_ =	sdelay $0x1  }
0x1d3: {  	v10 =	vadd.f32 v11, v10;
	v11 =	vmul.f32 v9, v15;
	v15 =	vld [tilespmem:$0x1FC20]  }
0x1d4: {  	v5 =	vadd.f32 v6, v5  }
0x1d5: {  	v14 =	vor.u32 $0xA, v4  }
0x1d6: {  	v13 =	vor.u32 $0xC, v4;
	v5 =	vadd.f32 v7, v5;
	v7 =	vld.idx.msk [tilespmem:v12+s11+$0x0], $0xffff  }
0x1d7: {  	v12 =	vld [tilespmem:$0x1FC30]  }
0x1d8: {  	v9 =	vmul.f32 v9, v15;
	v15 =	vld [tilespmem:$0x1FC40];
	_ =	sdelay $0x1  }
0x1d9: {  	v6 =	vld.idx.msk [tilespmem:v14+s11+$0x0], $0xffff  }
0x1da: {  	v5 =	vadd.f32 v9, v5;
	v9 =	vld.idx.msk [tilespmem:v13+s11+$0x0], $0xffff  }
0x1db: {  	v13 =	vld [tilespmem:$0x1FC50]  }
0x1dc: {  	v10 =	vadd.f32 v11, v10;
	v11 =	vmul.f32 v8, v12;
	v8 =	vmul.f32 v8, v15;
	v15 =	vld [tilespmem:$0x1FC60];
	_ =	sdelay $0x4  }
0x1dd: {  	v10 =	vadd.f32 v11, v10;
	v11 =	vmul.f32 v6, v13;
	v6 =	vmul.f32 v6, v15;
	v15 =	vld [tilespmem:$0x1FC70];
	_ =	sdelay $0x2  }
0x1de: {  	v12 =	vor.u32 $0xE, v4;
	_ =	sdelay $0x1  }
0x1df: {  	v10 =	vadd.f32 v11, v10;
	v11 =	vmul.f32 v7, v15;
	v15 =	vld [tilespmem:$0x1FC80]  }
0x1e0: {  	v5 =	vadd.f32 v8, v5  }
0x1e1: {  	v14 =	vor.u32 $0xD, v4  }
0x1e2: {  	v13 =	vor.u32 $0xF, v4;
	v5 =	vadd.f32 v6, v5;
	v6 =	vld.idx.msk [tilespmem:v12+s11+$0x0], $0xffff  }
0x1e3: {  	v12 =	vld [tilespmem:$0x1FC90]  }
0x1e4: {  	v7 =	vmul.f32 v7, v15;
	v15 =	vld [tilespmem:$0x1FCA0];
	_ =	sdelay $0x1  }
0x1e5: {  	v8 =	vld.idx.msk [tilespmem:v14+s11+$0x0], $0xffff  }
0x1e6: {  	v5 =	vadd.f32 v7, v5;
	v7 =	vld.idx.msk [tilespmem:v13+s11+$0x0], $0xffff  }
0x1e7: {  	v13 =	vld [tilespmem:$0x1FCB0]  }
0x1e8: {  	v10 =	vadd.f32 v11, v10;
	v11 =	vmul.f32 v9, v12;
	v9 =	vmul.f32 v9, v15;
	v15 =	vld [tilespmem:$0x1FCC0];
	_ =	sdelay $0x4  }
0x1e9: {  	v10 =	vadd.f32 v11, v10;
	v11 =	vmul.f32 v8, v13;
	v8 =	vmul.f32 v8, v15;
	v15 =	vld [tilespmem:$0x1FCD0];
	_ =	sdelay $0x2  }
0x1ea: {  	v12 =	vor.u32 $0x11, v4;
	_ =	sdelay $0x1  }
0x1eb: {  	v10 =	vadd.f32 v11, v10;
	v11 =	vmul.f32 v6, v15;
	v15 =	vld [tilespmem:$0x1FCE0]  }
0x1ec: {  	v5 =	vadd.f32 v9, v5  }
0x1ed: {  	v14 =	vor.u32 $0x10, v4  }
0x1ee: {  	v13 =	vor.u32 $0x12, v4;
	v5 =	vadd.f32 v8, v5;
	v8 =	vld.idx.msk [tilespmem:v12+s11+$0x0], $0xffff  }
0x1ef: {  	v12 =	vld [tilespmem:$0x1FCF0]  }
0x1f0: {  	v6 =	vmul.f32 v6, v15;
	v15 =	vld [tilespmem:$0x1FD00];
	_ =	sdelay $0x1  }
0x1f1: {  	v9 =	vld.idx.msk [tilespmem:v14+s11+$0x0], $0xffff  }
0x1f2: {  	v5 =	vadd.f32 v6, v5;
	v6 =	vld.idx.msk [tilespmem:v13+s11+$0x0], $0xffff  }
0x1f3: {  	v13 =	vld [tilespmem:$0x1FD10]  }
0x1f4: {  	v10 =	vadd.f32 v11, v10;
	v11 =	vmul.f32 v7, v12;
	v7 =	vmul.f32 v7, v15;
	v15 =	vld [tilespmem:$0x1FD20];
	_ =	sdelay $0x4  }
0x1f5: {  	v10 =	vadd.f32 v11, v10;
	v11 =	vmul.f32 v9, v13;
	v9 =	vmul.f32 v9, v15;
	v15 =	vld [tilespmem:$0x1FD30];
	_ =	sdelay $0x2  }
0x1f6: {  	v12 =	vor.u32 $0x14, v4;
	_ =	sdelay $0x1  }
0x1f7: {  	v10 =	vadd.f32 v11, v10;
	v11 =	vmul.f32 v8, v15;
	v15 =	vld [tilespmem:$0x1FD40]  }
0x1f8: {  	v5 =	vadd.f32 v7, v5  }
0x1f9: {  	v14 =	vor.u32 $0x13, v4  }
0x1fa: {  	v13 =	vor.u32 $0x15, v4;
	v5 =	vadd.f32 v9, v5;
	v9 =	vld.idx.msk [tilespmem:v12+s11+$0x0], $0xffff  }
0x1fb: {  	v12 =	vld [tilespmem:$0x1FD50]  }
0x1fc: {  	v8 =	vmul.f32 v8, v15;
	v15 =	vld [tilespmem:$0x1FD60];
	_ =	sdelay $0x1  }
0x1fd: {  	v7 =	vld.idx.msk [tilespmem:v14+s11+$0x0], $0xffff  }
0x1fe: {  	v5 =	vadd.f32 v8, v5;
	v8 =	vld.idx.msk [tilespmem:v13+s11+$0x0], $0xffff  }
0x1ff: {  	v13 =	vld [tilespmem:$0x1FD70]  }
0x200: {  	v10 =	vadd.f32 v11, v10;
	v11 =	vmul.f32 v6, v12;
	v6 =	vmul.f32 v6, v15;
	v15 =	vld [tilespmem:$0x1FD80];
	_ =	sdelay $0x4  }
0x201: {  	v10 =	vadd.f32 v11, v10;
	v11 =	vmul.f32 v7, v13;
	v7 =	vmul.f32 v7, v15;
	v15 =	vld [tilespmem:$0x1FD90];
	_ =	sdelay $0x2  }
0x202: {  	v12 =	vor.u32 $0x17, v4;
	_ =	sdelay $0x1  }
0x203: {  	v10 =	vadd.f32 v11, v10;
	v11 =	vmul.f32 v9, v15;
	v15 =	vld [tilespmem:$0x1FDA0]  }
0x204: {  	v5 =	vadd.f32 v6, v5  }
0x205: {  	v14 =	vor.u32 $0x16, v4  }
0x206: {  	v13 =	vor.u32 $0x18, v4;
	v5 =	vadd.f32 v7, v5;
	v7 =	vld.idx.msk [tilespmem:v12+s11+$0x0], $0xffff  }
0x207: {  	v12 =	vld [tilespmem:$0x1FDB0]  }
0x208: {  	v9 =	vmul.f32 v9, v15;
	v15 =	vld [tilespmem:$0x1FDC0];
	_ =	sdelay $0x1  }
0x209: {  	v6 =	vld.idx.msk [tilespmem:v14+s11+$0x0], $0xffff  }
0x20a: {  	v5 =	vadd.f32 v9, v5;
	v9 =	vld.idx.msk [tilespmem:v13+s11+$0x0], $0xffff  }
0x20b: {  	v13 =	vld [tilespmem:$0x1FDD0]  }
0x20c: {  	v10 =	vadd.f32 v11, v10;
	v11 =	vmul.f32 v8, v12;
	v8 =	vmul.f32 v8, v15;
	v15 =	vld [tilespmem:$0x1FDE0];
	_ =	sdelay $0x4  }
0x20d: {  	v10 =	vadd.f32 v11, v10;
	v11 =	vmul.f32 v6, v13;
	v6 =	vmul.f32 v6, v15;
	v15 =	vld [tilespmem:$0x1FDF0];
	_ =	sdelay $0x2  }
0x20e: {  	v12 =	vor.u32 $0x1A, v4;
	_ =	sdelay $0x1  }
0x20f: {  	v10 =	vadd.f32 v11, v10;
	v11 =	vmul.f32 v7, v15;
	v15 =	vld [tilespmem:$0x1FE00]  }
0x210: {  	v5 =	vadd.f32 v8, v5  }
0x211: {  	v14 =	vor.u32 $0x19, v4  }
0x212: {  	v13 =	vor.u32 $0x1B, v4;
	v5 =	vadd.f32 v6, v5;
	v6 =	vld.idx.msk [tilespmem:v12+s11+$0x0], $0xffff  }
0x213: {  	v12 =	vld [tilespmem:$0x1FE10]  }
0x214: {  	v7 =	vmul.f32 v7, v15;
	v15 =	vld [tilespmem:$0x1FE20];
	_ =	sdelay $0x1  }
0x215: {  	v8 =	vld.idx.msk [tilespmem:v14+s11+$0x0], $0xffff  }
0x216: {  	v5 =	vadd.f32 v7, v5;
	v7 =	vld.idx.msk [tilespmem:v13+s11+$0x0], $0xffff  }
0x217: {  	v13 =	vld [tilespmem:$0x1FE30]  }
0x218: {  	v10 =	vadd.f32 v11, v10;
	v11 =	vmul.f32 v9, v12;
	v9 =	vmul.f32 v9, v15;
	v15 =	vld [tilespmem:$0x1FE40];
	_ =	sdelay $0x4  }
0x219: {  	v10 =	vadd.f32 v11, v10;
	v11 =	vmul.f32 v8, v13;
	v8 =	vmul.f32 v8, v15;
	v15 =	vld [tilespmem:$0x1FE50];
	_ =	sdelay $0x2  }
0x21a: {  	v12 =	vor.u32 $0x1D, v4;
	_ =	sdelay $0x1  }
0x21b: {  	v10 =	vadd.f32 v11, v10;
	v11 =	vmul.f32 v6, v15;
	v15 =	vld [tilespmem:$0x1FE60]  }
0x21c: {  	v5 =	vadd.f32 v9, v5  }
0x21d: {  	v14 =	vor.u32 $0x1C, v4  }
0x21e: {  	v13 =	vor.u32 $0x1E, v4;
	v5 =	vadd.f32 v8, v5;
	v8 =	vld.idx.msk [tilespmem:v12+s11+$0x0], $0xffff  }
0x21f: {  	v12 =	vld [tilespmem:$0x1FE70]  }
0x220: {  	v6 =	vmul.f32 v6, v15;
	v15 =	vld [tilespmem:$0x1FE80];
	_ =	sdelay $0x1  }
0x221: {  	v9 =	vld.idx.msk [tilespmem:v14+s11+$0x0], $0xffff  }
0x222: {  	v5 =	vadd.f32 v6, v5;
	v6 =	vld.idx.msk [tilespmem:v13+s11+$0x0], $0xffff  }
0x223: {  	v13 =	vld [tilespmem:$0x1FE90]  }
0x224: {  	v10 =	vadd.f32 v11, v10;
	v11 =	vmul.f32 v7, v12;
	v7 =	vmul.f32 v7, v15;
	v15 =	vld [tilespmem:$0x1FEA0];
	_ =	sdelay $0x4  }
0x225: {  	v10 =	vadd.f32 v11, v10;
	v11 =	vmul.f32 v9, v13;
	v9 =	vmul.f32 v9, v15;
	v15 =	vld [tilespmem:$0x1FEB0];
	_ =	sdelay $0x2  }
0x226: {  	v12 =	vor.u32 $0x20, v4;
	_ =	sdelay $0x1  }
0x227: {  	v10 =	vadd.f32 v11, v10;
	v11 =	vmul.f32 v8, v15;
	v15 =	vld [tilespmem:$0x1FEC0]  }
0x228: {  	v5 =	vadd.f32 v7, v5  }
0x229: {  	v14 =	vor.u32 $0x1F, v4  }
0x22a: {  	v13 =	vor.u32 $0x21, v4;
	v5 =	vadd.f32 v9, v5;
	v9 =	vld.idx.msk [tilespmem:v12+s11+$0x0], $0xffff  }
0x22b: {  	v12 =	vld [tilespmem:$0x1FED0]  }
0x22c: {  	v8 =	vmul.f32 v8, v15;
	v15 =	vld [tilespmem:$0x1FEE0];
	_ =	sdelay $0x1  }
0x22d: {  	v7 =	vld.idx.msk [tilespmem:v14+s11+$0x0], $0xffff  }
0x22e: {  	v5 =	vadd.f32 v8, v5;
	v8 =	vld.idx.msk [tilespmem:v13+s11+$0x0], $0xffff  }
0x22f: {  	v13 =	vld [tilespmem:$0x1FEF0]  }
0x230: {  	v10 =	vadd.f32 v11, v10;
	v11 =	vmul.f32 v6, v12;
	v6 =	vmul.f32 v6, v15;
	v15 =	vld [tilespmem:$0x1FF00];
	_ =	sdelay $0x4  }
0x231: {  	v10 =	vadd.f32 v11, v10;
	v11 =	vmul.f32 v7, v13;
	v7 =	vmul.f32 v7, v15;
	v15 =	vld [tilespmem:$0x1FF10];
	_ =	sdelay $0x2  }
0x232: {  	v12 =	vor.u32 $0x23, v4;
	_ =	sdelay $0x1  }
0x233: {  	v10 =	vadd.f32 v11, v10;
	v11 =	vmul.f32 v9, v15;
	v15 =	vld [tilespmem:$0x1FF20]  }
0x234: {  	v5 =	vadd.f32 v6, v5  }
0x235: {  	v14 =	vor.u32 $0x22, v4  }
0x236: {  	v13 =	vor.u32 $0x24, v4;
	v5 =	vadd.f32 v7, v5;
	v7 =	vld.idx.msk [tilespmem:v12+s11+$0x0], $0xffff  }
0x237: {  	v12 =	vld [tilespmem:$0x1FF30]  }
0x238: {  	v9 =	vmul.f32 v9, v15;
	v15 =	vld [tilespmem:$0x1FF40];
	_ =	sdelay $0x1  }
0x239: {  	v6 =	vld.idx.msk [tilespmem:v14+s11+$0x0], $0xffff  }
0x23a: {  	v5 =	vadd.f32 v9, v5;
	v9 =	vld.idx.msk [tilespmem:v13+s11+$0x0], $0xffff  }
0x23b: {  	v13 =	vld [tilespmem:$0x1FF50]  }
0x23c: {  	v10 =	vadd.f32 v11, v10;
	v11 =	vmul.f32 v8, v12;
	v8 =	vmul.f32 v8, v15;
	v15 =	vld [tilespmem:$0x1FF60];
	_ =	sdelay $0x4  }
0x23d: {  	v10 =	vadd.f32 v11, v10;
	v11 =	vmul.f32 v6, v13;
	v6 =	vmul.f32 v6, v15;
	v15 =	vld [tilespmem:$0x1FF70];
	_ =	sdelay $0x2  }
0x23e: {  	v12 =	vor.u32 $0x26, v4;
	_ =	sdelay $0x1  }
0x23f: {  	v10 =	vadd.f32 v11, v10;
	v11 =	vmul.f32 v7, v15;
	v15 =	vld [tilespmem:$0x1FF80]  }
0x240: {  	v5 =	vadd.f32 v8, v5  }
0x241: {  	v14 =	vor.u32 $0x25, v4  }
0x242: {  	v13 =	vor.u32 $0x27, v4;
	v5 =	vadd.f32 v6, v5;
	v6 =	vld.idx.msk [tilespmem:v12+s11+$0x0], $0xffff  }
0x243: {  	v12 =	vld [tilespmem:$0x1FF90]  }
0x244: {  	v7 =	vmul.f32 v7, v15;
	v15 =	vld [tilespmem:$0x1FFA0];
	_ =	sdelay $0x1  }
0x245: {  	v8 =	vld.idx.msk [tilespmem:v14+s11+$0x0], $0xffff  }
0x246: {  	v5 =	vadd.f32 v7, v5;
	v7 =	vld.idx.msk [tilespmem:v13+s11+$0x0], $0xffff  }
0x247: {  	v13 =	vld [tilespmem:$0x1FFB0]  }
0x248: {  	v10 =	vadd.f32 v11, v10;
	v11 =	vmul.f32 v9, v12;
	v9 =	vmul.f32 v9, v15;
	v15 =	vld [tilespmem:$0x1FFC0];
	_ =	sdelay $0x3  }
0x249: {  	v12 =	vor.u32 $0x29, v4  }
0x24a: {  	v10 =	vadd.f32 v11, v10;
	v11 =	vmul.f32 v8, v13;
	v8 =	vmul.f32 v8, v15;
	v15 =	vld [tilespmem:$0x1FFD0];
	_ =	sdelay $0x1  }
0x24b: {  	v5 =	vadd.f32 v9, v5  }
0x24c: {  	v14 =	vor.u32 $0x28, v4  }
0x24d: {  	v5 =	vadd.f32 v8, v5;
	v8 =	vld.idx.msk [tilespmem:v12+s11+$0x0], $0xffff  }
0x24e: {  	v10 =	vadd.f32 v11, v10;
	v11 =	vmul.f32 v6, v15;
	v15 =	vld [tilespmem:$0x1FFE0]  }
0x24f: {  	v12 =	vld [tilespmem:$0x1FFF0]  }
0x250: {  	v13 =	vor.u32 $0x2A, v4  }
0x251: {  	v9 =	vld.idx.msk [tilespmem:v14+s11+$0x0], $0xffff  }
0x252: {  	v14 =	vor.u32 $0x2B, v4  }
0x253: {  	v6 =	vmul.f32 v6, v15  }
0x254: {  	v10 =	vadd.f32 v11, v10;
	v11 =	vor.u32 $0x2C, v4;
	v12 =	vmul.f32 v7, v12  }
0x255: {  	v7 =	vmul.f32 v7, v24;
	v5 =	vadd.f32 v6, v5;
	v6 =	vld.idx.msk [tilespmem:v13+s11+$0x0], $0xffff  }
0x256: {  	v24 =	vmul.f32 v9, v17;
	v10 =	vadd.f32 v12, v10;
	v12 =	vor.u32 $0x2D, v4  }
0x257: {  	v9 =	vmul.f32 v9, v25;
	v5 =	vadd.f32 v7, v5;
	v7 =	vld.idx.msk [tilespmem:v14+s11+$0x0], $0xffff  }
0x258: {  	v17 =	vor.u32 $0x2E, v4;
	v19 =	vmul.f32 v8, v19;
	v10 =	vadd.f32 v24, v10  }
0x259: {  	v8 =	vmul.f32 v8, v27;
	v24 =	vld.idx.msk [tilespmem:v11+s11+$0x0], $0xffff;
	v5 =	vadd.f32 v9, v5  }
0x25a: {  	v25 =	vor.u32 $0x2F, v4;
	v10 =	vadd.f32 v19, v10;
	v26 =	vmul.f32 v6, v26  }
0x25b: {  	v6 =	vmul.f32 v6, v28;
	v5 =	vadd.f32 v8, v5;
	v8 =	vld.idx.msk [tilespmem:v12+s11+$0x0], $0xffff  }
0x25c: {  	v27 =	vor.u32 $0x30, v4;
	v10 =	vadd.f32 v26, v10;
	v28 =	vmul.f32 v7, v21  }
0x25d: {  	v17 =	vld.idx.msk [tilespmem:v17+s11+$0x0], $0xffff;
	v7 =	vmul.f32 v7, v16;
	v5 =	vadd.f32 v6, v5  }
0x25e: {  	v19 =	vor.u32 $0x31, v4;
	v21 =	vmul.f32 v24, v18;
	v10 =	vadd.f32 v28, v10  }
0x25f: {  	v9 =	vmul.f32 v24, v20;
	v24 =	vld.idx.msk [tilespmem:v25+s11+$0x0], $0xffff;
	v5 =	vadd.f32 v7, v5  }
0x260: {  	v25 =	vor.u32 $0x32, v4;
	v10 =	vadd.f32 v21, v10;
	v26 =	vmul.f32 v8, v22  }
0x261: {  	v27 =	vld.idx.msk [tilespmem:v27+s11+$0x0], $0xffff;
	v8 =	vmul.f32 v8, v23;
	v5 =	vadd.f32 v9, v5  }
0x262: {  	v16 =	vmul.f32 v17, v29;
	v28 =	vor.u32 $0x33, v4;
	v10 =	vadd.f32 v26, v10  }
0x263: {  	v6 =	vmul.f32 v17, v31;
	v17 =	vld.idx.msk [tilespmem:v19+s11+$0x0], $0xffff;
	v5 =	vadd.f32 v8, v5  }
0x264: {  	v18 =	vor.u32 $0x34, v4;
	v19 =	vmul.f32 v24, v30;
	v10 =	vadd.f32 v16, v10  }
0x265: {  	v7 =	vmul.f32 v24, v33;
	v20 =	vld.idx.msk [tilespmem:v25+s11+$0x0], $0xffff;
	v5 =	vadd.f32 v6, v5  }
0x266: {  	v21 =	vor.u32 $0x35, v4;
	v22 =	vmul.f32 v27, v34;
	v10 =	vadd.f32 v19, v10  }
0x267: {  	v9 =	vmul.f32 v27, v35;
	v23 =	vld.idx.msk [tilespmem:v28+s11+$0x0], $0xffff;
	v5 =	vadd.f32 v7, v5  }
0x268: {  	v24 =	vor.u32 $0x36, v4;
	v25 =	vmul.f32 v17, v32;
	v10 =	vadd.f32 v22, v10  }
0x269: {  	v26 =	vld.idx.msk [tilespmem:v18+s11+$0x0], $0xffff;
	v8 =	vmul.f32 v17, v38;
	v5 =	vadd.f32 v9, v5  }
0x26a: {  	v27 =	vor.u32 $0x37, v4;
	v28 =	vmul.f32 v20, v36;
	v10 =	vadd.f32 v25, v10  }
0x26b: {  	v29 =	vld.idx.msk [tilespmem:v21+s11+$0x0], $0xffff;
	v6 =	vmul.f32 v20, v39;
	v5 =	vadd.f32 v8, v5  }
0x26c: {  	v30 =	vor.u32 $0x38, v4;
	v31 =	vmul.f32 v23, v37;
	v10 =	vadd.f32 v28, v10  }
0x26d: {  	v32 =	vld.idx.msk [tilespmem:v24+s11+$0x0], $0xffff;
	v7 =	vmul.f32 v23, v41;
	v5 =	vadd.f32 v6, v5  }
0x26e: {  	v33 =	vor.u32 $0x39, v4;
	v34 =	vmul.f32 v26, v40;
	v10 =	vadd.f32 v31, v10  }
0x26f: {  	v35 =	vld.idx.msk [tilespmem:v27+s11+$0x0], $0xffff;
	v9 =	vmul.f32 v26, v44;
	v5 =	vadd.f32 v7, v5  }
0x270: {  	v36 =	vor.u32 $0x3A, v4;
	v37 =	vmul.f32 v29, v43;
	v10 =	vadd.f32 v34, v10  }
0x271: {  	v38 =	vld.idx.msk [tilespmem:v30+s11+$0x0], $0xffff;
	v8 =	vmul.f32 v29, v45;
	v5 =	vadd.f32 v9, v5  }
0x272: {  	v39 =	vor.u32 $0x3B, v4;
	v40 =	vmul.f32 v32, v42;
	v10 =	vadd.f32 v37, v10  }
0x273: {  	v41 =	vld.idx.msk [tilespmem:v33+s11+$0x0], $0xffff;
	v6 =	vmul.f32 v32, v48;
	v5 =	vadd.f32 v8, v5  }
0x274: {  	v42 =	vor.u32 $0x3C, v4;
	v43 =	vmul.f32 v35, v46;
	v10 =	vadd.f32 v40, v10  }
0x275: {  	v44 =	vld.idx.msk [tilespmem:v36+s11+$0x0], $0xffff;
	v7 =	vmul.f32 v35, v49;
	v5 =	vadd.f32 v6, v5  }
0x276: {  	v45 =	vor.u32 $0x3D, v4;
	v46 =	vmul.f32 v38, v47;
	v10 =	vadd.f32 v43, v10  }
0x277: {  	v47 =	vld.idx.msk [tilespmem:v39+s11+$0x0], $0xffff;
	v9 =	vmul.f32 v38, v50;
	v5 =	vadd.f32 v7, v5  }
0x278: {  	v48 =	vor.u32 $0x3E, v4;
	v49 =	vmul.f32 v41, v51;
	v10 =	vadd.f32 v46, v10  }
0x279: {  	v50 =	vld.idx.msk [tilespmem:v42+s11+$0x0], $0xffff;
	v8 =	vmul.f32 v41, v52;
	v5 =	vadd.f32 v9, v5  }
0x27a: {  	v51 =	vor.u32 $0x3F, v4;
	v52 =	vmul.f32 v44, v53;
	v10 =	vadd.f32 v49, v10  }
0x27b: {  	v53 =	vld.idx.msk [tilespmem:v45+s11+$0x0], $0xffff;
	v6 =	vmul.f32 v44, v55;
	v5 =	vadd.f32 v8, v5  }
0x27c: {  	v54 =	vmul.f32 v47, v54;
	v10 =	vadd.f32 v52, v10  }
0x27d: {  	v55 =	vld.idx.msk [tilespmem:v48+s11+$0x0], $0xffff;
	v7 =	vmul.f32 v47, v57;
	v5 =	vadd.f32 v6, v5  }
0x27e: {  	v56 =	vmul.f32 v50, v56;
	v10 =	vadd.f32 v54, v10  }
0x27f: {  	v4 =	vld.idx.msk [tilespmem:v51+s11+$0x0], $0xffff;
	v9 =	vmul.f32 v50, v59;
	v5 =	vadd.f32 v7, v5  }
0x280: {  	v58 =	vmul.f32 v53, v58;
	v57 =	vadd.f32 v56, v10  }
0x281: {  	v8 =	vmul.f32 v53, v60;
	v5 =	vadd.f32 v9, v5  }
0x282: {  	v59 =	vmul.f32 v55, v61;
	v7 =	vadd.f32 v58, v57  }
0x283: {  	v6 =	vmul.f32 v55, v63;
	v5 =	vadd.f32 v8, v5  }
0x284: {  	v60 =	vmul.f32 v4, v62;
	v7 =	vadd.f32 v59, v7  }
0x285: {  	v3 =	vshll.u32 v3, $0x1;
	v0 =	vmul.f32 v4, v0;
	v61 =	vadd.f32 v6, v5  }
0x286: {  	v63 =	vor.u32 $0x1, v3;
	v62 =	vadd.f32 v60, v7  }
0x287: {  	v0 =	vadd.f32 v0, v61  }
0x288: {  	v1 =	vadd.f32 v62, v1  }
0x289: {  	s19 =	sadd.s32 $0x1, s19;
	v0 =	vadd.f32 v0, v2  }
0x28a: {  	p0 =	sne.s32 s19, s7;
	[tilespmem:v3+s18+$0x0] =	vst.idx.msk $0xffff, v1  }
.Ltmp1:
0x28b: {  	[tilespmem:v63+s18+$0x0] =	vst.idx.msk $0xffff, v0;
	(pc) =	sbr.rel @p0 .LBB2_1-.Ltmp1, $4  }
0x28c: {  	[hbm4b:s6+s3] =	stream.linear.scatter [tilespmem:s18], [sflag:$0x2], $0x400, $0x38;
	[tilespmem:$0x8690] =	vst v63  }
0x28d: {  	_ =	swait.ge [sflag:s9], $0x400  }
0x28e: {  	[sflag:s9] =	ssyncset.done $0x0  }
0x28f: {  	v0 =	vlaneseq.u32;
	[sflag:s9] =	ssyncadd.s32 $0xFFFFFC00  }
0x290: {  	_ =	sfence.sel $0x180000  }
0x291: {  	[bflag:$0x0] =	sbarrier.arrive $0xFFFF  }
0x292: {  	p0 =	sne.s32 s2, $0x0;
	_ =	strace $0x90000047  }
0x293: {  	s0 =	sadd.s32 @!p0 $0x100000, s0;
	[bflag:$0x2] =	sbarrier.arrive $0xFFFF  }
0x294: {  	[sflag:s0] =	ssyncadd.tile.s32 @!p0 $0x1;
	_ =	shalt  }
.Lfunc_end2:
_tile_overlayer_lowered:
.L_overlay_start_2:
0x295: {  	(tag) =	ssettag $0x2  }
0x296: {  	s0 =	rddreg [dreg:$0x0];
	s2 =	stileid.u32  }
0x297: {  	s1 =	rddreg [dreg:$0x1];
	p0 =	sne.s32 s2, $0x0  }
0x298: {  	s3 =	rddreg [dreg:$0x2];
	[bflag:$0x3] =	sbarrier.arrive $0xFFFF;
	s2 =	simm.s32 @!p0 $0x1C02  }
0x299: {  	[timem:s3], [sflag:s2] =	dma.local @!p0 [hbm:s0], s1  }
0x29a: {  	s0 =	simm.s32 @!p0 $0x2  }
0x29b: {  	_ =	swait.ge @!p0 [sflag:s0], s1  }
0x29c: {  	s1 =	ssub.s32 @!p0 $0x0, s1;
	[sflag:s0] =	ssyncset.done @!p0 $0x0  }
0x29d: {  	[sflag:s0] =	ssyncadd.s32 @!p0 s1  }
0x29e: {  	[bflag:$0x3] =	sbarrier.arrive $0xFFFF  }
0x29f: {  	_ =	shalt  }

</sc_bundles>
